<compile_context>
chip_gen: v7x
topology: tpu7x:2x2x1
jax: 0.10.2.dev20260603
libtpu: 0.0.44.dev20260713+nightly
codegen_flags: <defaults>
</compile_context>

<pallas_src>
import functools

import jax
import jax.numpy as jnp
from jax import lax
from jax.experimental import pallas as pl
from jax.experimental.pallas import tpu as pltpu
from jax.experimental.pallas import tpu_sc as plsc

N = 10000
NP = 10016
NPH = NP // 2
H = 4
C = 32
D = 128
DH = 64
E = 320000
ET = E + N
B = 128
NC = 2
NS = 16
NW = NC * NS
EPT = 20736
EPAD = EPT * NS
NB = EPT // B
RPT = 312
TAIL0 = NS * RPT



def _mm_kernel(x_ref, w_ref, b_ref, xl_ref, xr_ref):
    y = jnp.dot(x_ref[...], w_ref[...], preferred_element_type=jnp.float32)
    y = y + b_ref[...][None, :]
    xl_ref[...] = y[:, :D]
    xr_ref[...] = y[:, D:]


def _tc_in(x, w, b):
    return pl.pallas_call(
        _mm_kernel,
        out_shape=(jax.ShapeDtypeStruct((NP, D), jnp.float32),
                   jax.ShapeDtypeStruct((NP, D), jnp.float32)),
    )(x, w, b)


def _norm_mm_kernel(dump_ref, dens_ref, s_ref, bo_ref, w_ref, b_ref,
                    xl_ref, xr_ref):
    a = jnp.concatenate([dump_ref[0], dump_ref[1]], axis=1)
    den01 = jnp.sum(dens_ref[:NS], axis=0)
    den23 = jnp.sum(dens_ref[NS:], axis=0)
    dp = jnp.concatenate([den01, den23], axis=0)
    div = lax.dot_general(dp, s_ref[...], (((0,), (0,)), ((), ())),
                          preferred_element_type=jnp.float32) + 1e-16
    hmsg = a / div + bo_ref[...][None, :]
    hmsg = jnp.where(hmsg > 0, hmsg, jnp.exp(hmsg) - 1.0)
    y = jnp.dot(hmsg, w_ref[...], preferred_element_type=jnp.float32)
    y = y + b_ref[...][None, :]
    xl_ref[...] = y[:, :D]
    xr_ref[...] = y[:, D:]


def _tc_mid(dump, dens, s, bo, w, b):
    return pl.pallas_call(
        _norm_mm_kernel,
        out_shape=(jax.ShapeDtypeStruct((NP, D), jnp.float32),
                   jax.ShapeDtypeStruct((NP, D), jnp.float32)),
    )(dump, dens, s, bo, w, b)



_GD = lax.GatherDimensionNumbers(
    offset_dims=(), collapsed_slice_dims=(0,), start_index_map=(0,))


def _xlane(v, idx):
    return lax.gather(v, idx[:, None], _GD, slice_sizes=(1,),
                      mode=lax.GatherScatterMode.PROMISE_IN_BOUNDS)


def _edge_kernel(xl_hbm, xr_hbm, src_hbm, dst_hbm, att_hbm, out_hbm, den_hbm,
                 srcx_v, dst_v, dstx_v, adj_v, xl_v, xr_v, msg_v, att_v,
                 den_v, acc_sh, sem1, sem2):
    cid = lax.axis_index("c")
    sid = lax.axis_index("s")
    wid = cid * NS + sid

    zero = jnp.zeros((16,), jnp.float32)

    def zero_body(i, _):
        for k in range(D // 16):
            msg_v[i, pl.ds(16 * k, 16)] = zero
        return 0

    lax.fori_loop(0, B, zero_body, 0)

    def zden_body(i, _):
        den_v[pl.ds(16 * i, 16)] = zero
        return 0

    lax.fori_loop(0, (NP * 2 + 16) // 16, zden_body, 0)
    row0 = sid * RPT
    pltpu.sync_copy(msg_v, acc_sh.at[pl.ds(row0, B)])
    pltpu.sync_copy(msg_v, acc_sh.at[pl.ds(row0 + B, B)])
    pltpu.sync_copy(msg_v.at[pl.ds(0, RPT - 2 * B)],
                    acc_sh.at[pl.ds(row0 + 2 * B, RPT - 2 * B)])

    @pl.when(sid == 0)
    def _():
        pltpu.sync_copy(msg_v.at[pl.ds(0, NPH - TAIL0)],
                        acc_sh.at[pl.ds(TAIL0, NPH - TAIL0)])

    plsc.subcore_barrier()

    pltpu.sync_copy(att_hbm, att_v)
    att_k = [att_v[pl.ds(DH * cid + 16 * k, 16)] for k in range(DH // 16)]
    lane = lax.broadcasted_iota(jnp.int32, (16,), 0)
    p8, p4, p2, p1 = (lane ^ 8, lane ^ 4, lane ^ 2, lane ^ 1)
    zeros16 = jnp.zeros((16,), jnp.int32)
    eights16 = zeros16 + 8

    def batch_body(b, _):
        base = sid * EPT + b * B
        pltpu.sync_copy(dst_hbm.at[pl.ds(base, B)], dst_v)
        pltpu.sync_copy(dst_hbm.at[pl.ds(base, B)], dstx_v.at[pl.ds(0, B)])
        pltpu.sync_copy(src_hbm.at[pl.ds(base, B)], srcx_v)
        for j in range(B // 16):
            dv = dst_v[pl.ds(16 * j, 16)]
            adj_v[pl.ds(16 * j, 16)] = lax.shift_right_logical(dv, 1)
        cp1 = pltpu.async_copy(xl_hbm.at[srcx_v], xl_v, sem1)
        cp2 = pltpu.async_copy(xr_hbm.at[dst_v], xr_v, sem2)
        cp1.wait()
        cp2.wait()
        hbase = DH * cid

        def edge_body(q, _):
            for u in range(4):
                i = q * 4 + u
                xls = []
                accs = []
                for k in range(DH // 16):
                    zl = xl_v[i, pl.ds(hbase + 16 * k, 16)]
                    zr = xr_v[i, pl.ds(hbase + 16 * k, 16)]
                    xls.append(zl)
                    z = zl + zr
                    z = jnp.maximum(z, 0.2 * z)
                    accs.append(z * att_k[k])
                dstq = dstx_v[pl.ds(i, 16)][0]
                colb = (dstq & 1) * DH
                g0 = accs[0] + accs[1]
                g1 = accs[2] + accs[3]
                a8 = g0 + _xlane(g0, p8)
                b8 = g1 + _xlane(g1, p8)
                m = jnp.where(lane < 8, a8, b8)
                m = m + _xlane(m, p4)
                m = m + _xlane(m, p2)
                m = m + _xlane(m, p1)
                w01 = jnp.exp(m)
                w0 = _xlane(w01, zeros16)
                w1 = _xlane(w01, eights16)
                msg_v[i, pl.ds(colb, 16)] = xls[0] * w0
                msg_v[i, pl.ds(colb + 16, 16)] = xls[1] * w0
                msg_v[i, pl.ds(colb + 32, 16)] = xls[2] * w1
                msg_v[i, pl.ds(colb + 48, 16)] = xls[3] * w1
                ocolb = DH - colb
                for k in range(DH // 16):
                    msg_v[i, pl.ds(ocolb + 16 * k, 16)] = zero
                wv0 = jnp.where(lane < 1, w01, zero)
                wv1 = jnp.where(lane < 1, w1, zero)
                den_v[pl.ds(dstq, 16)] = den_v[pl.ds(dstq, 16)] + wv0
                den_v[pl.ds(NP + dstq, 16)] = (den_v[pl.ds(NP + dstq, 16)]
                                               + wv1)
            return 0

        lax.fori_loop(0, B // 4, edge_body, 0)
        pltpu.sync_copy(msg_v, acc_sh.at[adj_v], add=True)
        return 0

    lax.fori_loop(0, NB, batch_body, 0)
    plsc.subcore_barrier()

    pltpu.sync_copy(acc_sh.at[pl.ds(row0, B)],
                    out_hbm.at[cid, pl.ds(row0, B)])
    pltpu.sync_copy(acc_sh.at[pl.ds(row0 + B, B)],
                    out_hbm.at[cid, pl.ds(row0 + B, B)])
    pltpu.sync_copy(acc_sh.at[pl.ds(row0 + 2 * B, RPT - 2 * B)],
                    out_hbm.at[cid, pl.ds(row0 + 2 * B, RPT - 2 * B)])

    @pl.when(sid == 0)
    def _():
        pltpu.sync_copy(acc_sh.at[pl.ds(TAIL0, NPH - TAIL0)],
                        out_hbm.at[cid, pl.ds(TAIL0, NPH - TAIL0)])

    pltpu.sync_copy(den_v.at[pl.ds(0, NP * 2)],
                    den_hbm.at[pl.ds(wid * NP * 2, NP * 2)])


def _sc_edge_pass(xl, xr, src, dst, att_flat):
    mesh = plsc.VectorSubcoreMesh(core_axis_name="c", subcore_axis_name="s")
    f = functools.partial(
        pl.kernel, _edge_kernel, mesh=mesh,
        out_type=(jax.ShapeDtypeStruct((NC, NPH, D), jnp.float32),
                  jax.ShapeDtypeStruct((NW * NP * 2,), jnp.float32)),
        scratch_types=[
            pltpu.VMEM((B,), jnp.int32),
            pltpu.VMEM((B,), jnp.int32),
            pltpu.VMEM((B + 16,), jnp.int32),
            pltpu.VMEM((B,), jnp.int32),
            pltpu.VMEM((B, D), jnp.float32),
            pltpu.VMEM((B, D), jnp.float32),
            pltpu.VMEM((B, D), jnp.float32),
            pltpu.VMEM((D,), jnp.float32),
            pltpu.VMEM((NP * 2 + 16,), jnp.float32),
            pltpu.VMEM_SHARED((NPH, D), jnp.float32),
            pltpu.SemaphoreType.DMA,
            pltpu.SemaphoreType.DMA,
        ],
    )()
    return f(xl, xr, src, dst, att_flat)



def kernel(x, edge_index, Wl0, bl0, Wr0, br0, att0, bo0,
           Wl1, bl1, Wr1, br1, att1, bo1, Wf, bf):
    xp = jnp.zeros((NP, D), jnp.float32).at[:N].set(x)
    loop = jnp.arange(N, dtype=jnp.int32)
    pad = N + (jnp.arange(EPAD - ET, dtype=jnp.int32) % 16)
    src = jnp.concatenate([edge_index[0].astype(jnp.int32), loop, pad])
    dst = jnp.concatenate([edge_index[1].astype(jnp.int32), loop, pad])
    w0 = jnp.concatenate([Wl0, Wr0], axis=1)
    b0 = jnp.concatenate([bl0, br0])
    w1 = jnp.concatenate([Wl1, Wr1], axis=1)
    b1 = jnp.concatenate([bl1, br1])
    s_heads = jnp.repeat(jnp.eye(H, dtype=jnp.float32), C, axis=1)

    dout = bf.shape[0]
    wfp = jnp.zeros((D, 2 * D), jnp.float32).at[:, :dout].set(Wf)
    bfp = jnp.zeros((2 * D,), jnp.float32).at[:dout].set(bf)
    atts = jnp.stack([att0.reshape(-1), att1.reshape(-1)])
    wstack = jnp.stack([w1, wfp])
    bstack = jnp.stack([b1, bfp])
    bos = jnp.stack([bo0, bo1])

    xl0, xr0 = _tc_in(xp, w0, b0)

    def body(carry, xs):
        xl, xr = carry
        att_i, w_i, b_i, bo_i = xs
        dump, den = _sc_edge_pass(xl, xr, src, dst, att_i)
        dump2 = dump.reshape(NC, NP, DH)
        den2 = den.reshape(NW, 2, NP)
        yl, yr = _tc_mid(dump2, den2, s_heads, bo_i, w_i, b_i)
        return (yl, yr), 0

    (ylf, _), _ = lax.scan(body, (xl0, xr0), (atts, wstack, bstack, bos))
    return ylf[:N, :dout]

# --- scband reference (transcript-rebuilt; emitter-appended) ---
"""Pipeline reference for scband-gatv2-net-35167192220487 (READ-ONLY COPY).

The authoritative reference and input builder live on the scoring server;
editing this copy changes nothing except your own understanding.
"""

import jax, jax.numpy as jnp
import numpy as np

N = 10000
E = 320000
D_IN = 128
H = 4
C = 32
D_OUT = 64


def _gatv2_conv(x, src, dst, Wl, bl, Wr, br, att, bias_out, num_nodes, heads, out_ch):
    # PyG GATv2Conv semantics (concat=True, share_weights=False, negative_slope=0.2,
    # add_self_loops handled by caller via src/dst already containing loops)
    x_l = (x @ Wl + bl).reshape(-1, heads, out_ch)  # source transform
    x_r = (x @ Wr + br).reshape(-1, heads, out_ch)  # target transform
    e = x_l[src] + x_r[dst]                         # [E, H, C] gather
    e = jax.nn.leaky_relu(e, 0.2)
    alpha = jnp.sum(e * att[None, :, :], axis=-1)   # [E, H]
    amax = jax.ops.segment_max(alpha, dst, num_segments=num_nodes)
    amax = jnp.where(jnp.isfinite(amax), amax, 0.0)
    alpha = jnp.exp(alpha - amax[dst])
    denom = jax.ops.segment_sum(alpha, dst, num_segments=num_nodes)
    alpha = alpha / (denom[dst] + 1e-16)
    msg = x_l[src] * alpha[:, :, None]              # [E, H, C]
    out = jax.ops.segment_sum(msg, dst, num_segments=num_nodes)  # scatter-add
    out = out.reshape(num_nodes, heads * out_ch) + bias_out
    return out


def setup_inputs(seed: int = 0) -> dict:
    key = jax.random.key(seed)
    ks = jax.random.split(key, 16)
    s = 0.1
    inp = {}
    inp["x"] = jax.random.normal(ks[0], (N, D_IN), dtype=jnp.float32)
    inp["edge_index"] = jax.random.randint(ks[1], (2, E), 0, N, dtype=jnp.int32)
    # layer 0: in=128 -> heads*hidden=128
    inp["Wl0"] = jax.random.normal(ks[2], (D_IN, H * C), dtype=jnp.float32) * s
    inp["bl0"] = jnp.zeros((H * C,), dtype=jnp.float32)
    inp["Wr0"] = jax.random.normal(ks[3], (D_IN, H * C), dtype=jnp.float32) * s
    inp["br0"] = jnp.zeros((H * C,), dtype=jnp.float32)
    inp["att0"] = jax.random.normal(ks[4], (H, C), dtype=jnp.float32) * s
    inp["bo0"] = jnp.zeros((H * C,), dtype=jnp.float32)
    # layer 1: in=128 -> heads*hidden=128
    inp["Wl1"] = jax.random.normal(ks[5], (H * C, H * C), dtype=jnp.float32) * s
    inp["bl1"] = jnp.zeros((H * C,), dtype=jnp.float32)
    inp["Wr1"] = jax.random.normal(ks[6], (H * C, H * C), dtype=jnp.float32) * s
    inp["br1"] = jnp.zeros((H * C,), dtype=jnp.float32)
    inp["att1"] = jax.random.normal(ks[7], (H, C), dtype=jnp.float32) * s
    inp["bo1"] = jnp.zeros((H * C,), dtype=jnp.float32)
    # final linear 128 -> 64
    inp["Wf"] = jax.random.normal(ks[8], (H * C, D_OUT), dtype=jnp.float32) * s
    inp["bf"] = jnp.zeros((D_OUT,), dtype=jnp.float32)
    return inp


def reference(x, edge_index, Wl0, bl0, Wr0, br0, att0, bo0, Wl1, bl1, Wr1, br1, att1, bo1, Wf, bf):
    # add self loops (PyG GATv2Conv default add_self_loops=True)
    loop = jnp.arange(N, dtype=edge_index.dtype)
    src = jnp.concatenate([edge_index[0], loop])
    dst = jnp.concatenate([edge_index[1], loop])
    # dropout is identity in eval mode (training=False)
    h = _gatv2_conv(x, src, dst, Wl0, bl0, Wr0, br0, att0, bo0, N, H, C)
    h = jax.nn.elu(h)
    h = _gatv2_conv(h, src, dst, Wl1, bl1, Wr1, br1, att1, bo1, N, H, C)
    h = jax.nn.elu(h)
    out = h @ Wf + bf
    return out

if __name__ == "__main__":
    import jax
    _d = setup_inputs()
    print(jax.jit(kernel)(*tuple(_d.values())))

</pallas_src>

<mosaic_0001>
#map = affine_map<(d0, d1) -> (0, 0)>
#map1 = affine_map<(d0, d1) -> (0)>
#map2 = affine_map<(d0, d1) -> (0, 0, 0)>
module attributes {stable_mosaic.version = 14 : i64} {
  func.func @_edge_kernel(%arg0: i32, %arg1: i32, %arg2: memref<10016x128xf32, #tpu.memory_space<hbm>>, %arg3: memref<10016x128xf32, #tpu.memory_space<hbm>>, %arg4: memref<331776xi32, #tpu.memory_space<hbm>>, %arg5: memref<331776xi32, #tpu.memory_space<hbm>>, %arg6: memref<128xf32, #tpu.memory_space<hbm>>, %arg7: memref<2x5008x128xf32, #tpu.memory_space<hbm>>, %arg8: memref<641024xf32, #tpu.memory_space<hbm>>, %arg9: memref<128xi32, #tpu.memory_space<vmem>>, %arg10: memref<128xi32, #tpu.memory_space<vmem>>, %arg11: memref<144xi32, #tpu.memory_space<vmem>>, %arg12: memref<128xi32, #tpu.memory_space<vmem>>, %arg13: memref<128x128xf32, #tpu.memory_space<vmem>>, %arg14: memref<128x128xf32, #tpu.memory_space<vmem>>, %arg15: memref<128x128xf32, #tpu.memory_space<vmem>>, %arg16: memref<128xf32, #tpu.memory_space<vmem>>, %arg17: memref<20048xf32, #tpu.memory_space<vmem>>, %arg18: memref<5008x128xf32, #tpu.memory_space<vmem_shared>>, %arg19: memref<!tpu.dma_semaphore, #tpu.memory_space<semaphore_mem>>, %arg20: memref<!tpu.dma_semaphore, #tpu.memory_space<semaphore_mem>>) attributes {dimension_semantics = [#tpu.dimension_semantics<core_parallel>, #tpu.dimension_semantics<subcore_parallel>], iteration_bounds = array<i64: 2, 16>, scalar_prefetch = 0 : i64, scratch_operands = 12 : i64, tpu.core_type = #tpu.core_type<sc_vector_subcore>, window_params = [{transform_indices = #map}, {transform_indices = #map}, {transform_indices = #map1}, {transform_indices = #map1}, {transform_indices = #map1}, {transform_indices = #map2}, {transform_indices = #map1}]} {
    %mul3A = arith.constant 16 : i32
    %mul3A_0 = arith.muli %arg0, %mul3A : i32
    %add3A = arith.addi %mul3A_0, %arg1 : i32
    %broadcast_in_dim3A = arith.constant 0.000000e+00 : f32
    %broadcast_in_dim3A_1 = vector.broadcast %broadcast_in_dim3A : f32 to vector<16xf32>
    %scan3A = arith.constant 0 : i32
    %scan3A_2 = arith.constant 0 : i32
    %scan3A_3 = arith.constant 128 : i32
    %scan3A_4 = arith.addi %scan3A_2, %scan3A_3 : i32
    %scan3A_5 = arith.constant 1 : i32
    %scan3A_6 = scf.for %scan3A_91 = %scan3A_2 to %scan3A_4 step %scan3A_5 iter_args(%scan3A_92 = %scan3A) -> (i32)  : i32 {
      %swap3A = arith.index_cast %scan3A_91 : i32 to index
      %swap3A_93 = arith.constant 0 : index
      %swap3A_94 = tpu.vector_load %arg15[%swap3A, %swap3A_93] {strides = array<i32>} : memref<128x128xf32, #tpu.memory_space<vmem>>, vector<1x16xf32>,
      %swap3A_95 = vector.shape_cast %swap3A_94 : vector<1x16xf32> to vector<16xf32>
      %swap3A_96 = vector.shape_cast %broadcast_in_dim3A_1 : vector<16xf32> to vector<1x16xf32>
      tpu.vector_store %arg15[%swap3A, %swap3A_93], %swap3A_96 {strides = array<i32>} : memref<128x128xf32, #tpu.memory_space<vmem>>, vector<1x16xf32>,
      %swap3A_97 = arith.index_cast %scan3A_91 : i32 to index
      %swap3A_98 = arith.constant 16 : index
      %swap3A_99 = tpu.vector_load %arg15[%swap3A_97, %swap3A_98] {strides = array<i32>} : memref<128x128xf32, #tpu.memory_space<vmem>>, vector<1x16xf32>,
      %swap3A_100 = vector.shape_cast %swap3A_99 : vector<1x16xf32> to vector<16xf32>
      %swap3A_101 = vector.shape_cast %broadcast_in_dim3A_1 : vector<16xf32> to vector<1x16xf32>
      tpu.vector_store %arg15[%swap3A_97, %swap3A_98], %swap3A_101 {strides = array<i32>} : memref<128x128xf32, #tpu.memory_space<vmem>>, vector<1x16xf32>,
      %swap3A_102 = arith.index_cast %scan3A_91 : i32 to index
      %swap3A_103 = arith.constant 32 : index
      %swap3A_104 = tpu.vector_load %arg15[%swap3A_102, %swap3A_103] {strides = array<i32>} : memref<128x128xf32, #tpu.memory_space<vmem>>, vector<1x16xf32>,
      %swap3A_105 = vector.shape_cast %swap3A_104 : vector<1x16xf32> to vector<16xf32>
      %swap3A_106 = vector.shape_cast %broadcast_in_dim3A_1 : vector<16xf32> to vector<1x16xf32>
      tpu.vector_store %arg15[%swap3A_102, %swap3A_103], %swap3A_106 {strides = array<i32>} : memref<128x128xf32, #tpu.memory_space<vmem>>, vector<1x16xf32>,
      %swap3A_107 = arith.index_cast %scan3A_91 : i32 to index
      %swap3A_108 = arith.constant 48 : index
      %swap3A_109 = tpu.vector_load %arg15[%swap3A_107, %swap3A_108] {strides = array<i32>} : memref<128x128xf32, #tpu.memory_space<vmem>>, vector<1x16xf32>,
      %swap3A_110 = vector.shape_cast %swap3A_109 : vector<1x16xf32> to vector<16xf32>
      %swap3A_111 = vector.shape_cast %broadcast_in_dim3A_1 : vector<16xf32> to vector<1x16xf32>
      tpu.vector_store %arg15[%swap3A_107, %swap3A_108], %swap3A_111 {strides = array<i32>} : memref<128x128xf32, #tpu.memory_space<vmem>>, vector<1x16xf32>,
      %swap3A_112 = arith.index_cast %scan3A_91 : i32 to index
      %swap3A_113 = arith.constant 64 : index
      %swap3A_114 = tpu.vector_load %arg15[%swap3A_112, %swap3A_113] {strides = array<i32>} : memref<128x128xf32, #tpu.memory_space<vmem>>, vector<1x16xf32>,
      %swap3A_115 = vector.shape_cast %swap3A_114 : vector<1x16xf32> to vector<16xf32>
      %swap3A_116 = vector.shape_cast %broadcast_in_dim3A_1 : vector<16xf32> to vector<1x16xf32>
      tpu.vector_store %arg15[%swap3A_112, %swap3A_113], %swap3A_116 {strides = array<i32>} : memref<128x128xf32, #tpu.memory_space<vmem>>, vector<1x16xf32>,
      %swap3A_117 = arith.index_cast %scan3A_91 : i32 to index
      %swap3A_118 = arith.constant 80 : index
      %swap3A_119 = tpu.vector_load %arg15[%swap3A_117, %swap3A_118] {strides = array<i32>} : memref<128x128xf32, #tpu.memory_space<vmem>>, vector<1x16xf32>,
      %swap3A_120 = vector.shape_cast %swap3A_119 : vector<1x16xf32> to vector<16xf32>
      %swap3A_121 = vector.shape_cast %broadcast_in_dim3A_1 : vector<16xf32> to vector<1x16xf32>
      tpu.vector_store %arg15[%swap3A_117, %swap3A_118], %swap3A_121 {strides = array<i32>} : memref<128x128xf32, #tpu.memory_space<vmem>>, vector<1x16xf32>,
      %swap3A_122 = arith.index_cast %scan3A_91 : i32 to index
      %swap3A_123 = arith.constant 96 : index
      %swap3A_124 = tpu.vector_load %arg15[%swap3A_122, %swap3A_123] {strides = array<i32>} : memref<128x128xf32, #tpu.memory_space<vmem>>, vector<1x16xf32>,
      %swap3A_125 = vector.shape_cast %swap3A_124 : vector<1x16xf32> to vector<16xf32>
      %swap3A_126 = vector.shape_cast %broadcast_in_dim3A_1 : vector<16xf32> to vector<1x16xf32>
      tpu.vector_store %arg15[%swap3A_122, %swap3A_123], %swap3A_126 {strides = array<i32>} : memref<128x128xf32, #tpu.memory_space<vmem>>, vector<1x16xf32>,
      %swap3A_127 = arith.index_cast %scan3A_91 : i32 to index
      %swap3A_128 = arith.constant 112 : index
      %swap3A_129 = tpu.vector_load %arg15[%swap3A_127, %swap3A_128] {strides = array<i32>} : memref<128x128xf32, #tpu.memory_space<vmem>>, vector<1x16xf32>,
      %swap3A_130 = vector.shape_cast %swap3A_129 : vector<1x16xf32> to vector<16xf32>
      %swap3A_131 = vector.shape_cast %broadcast_in_dim3A_1 : vector<16xf32> to vector<1x16xf32>
      tpu.vector_store %arg15[%swap3A_127, %swap3A_128], %swap3A_131 {strides = array<i32>} : memref<128x128xf32, #tpu.memory_space<vmem>>, vector<1x16xf32>,
      %scan3A_132 = arith.constant 0 : i32
      scf.yield %scan3A_132 : i32
    }
    %scan3A_7 = arith.constant 128 : i32
    %scan3A_8 = arith.constant 0 : i32
    %scan3A_9 = arith.constant 0 : i32
    %scan3A_10 = arith.constant 1253 : i32
    %scan3A_11 = arith.addi %scan3A_9, %scan3A_10 : i32
    %scan3A_12 = arith.constant 1 : i32
    %scan3A_13 = scf.for %scan3A_91 = %scan3A_9 to %scan3A_11 step %scan3A_12 iter_args(%scan3A_92 = %scan3A_8) -> (i32)  : i32 {
      %mul3A_93 = arith.constant 16 : i32
      %mul3A_94 = arith.muli %mul3A_93, %scan3A_91 : i32
      %swap3A = arith.index_cast %mul3A_94 : i32 to index
      %swap3A_95 = tpu.vector_load %arg17[%swap3A] {strides = array<i32>} : memref<20048xf32, #tpu.memory_space<vmem>>, vector<16xf32>,
      %swap3A_96 = vector.shape_cast %swap3A_95 : vector<16xf32> to vector<16xf32>
      %swap3A_97 = vector.shape_cast %broadcast_in_dim3A_1 : vector<16xf32> to vector<16xf32>
      tpu.vector_store %arg17[%swap3A], %swap3A_97 {strides = array<i32>} : memref<20048xf32, #tpu.memory_space<vmem>>, vector<16xf32>,
      %scan3A_98 = arith.constant 0 : i32
      scf.yield %scan3A_98 : i32
    }
    %scan3A_14 = arith.constant 1253 : i32
    %mul3A_15 = arith.constant 312 : i32
    %mul3A_16 = arith.muli %arg1, %mul3A_15 : i32
    "tpu.region"() ({
      %run_scoped3A = tpu.sem_alloc : memref<!tpu.dma_semaphore, #tpu.memory_space<semaphore_mem>>
      %dma_start3A = arith.constant 0 : i32
      %dma_start3A_91 = tpu.memref_slice %arg18[%mul3A_16, %dma_start3A] : memref<5008x128xf32, #tpu.memory_space<vmem_shared>> -> memref<128x128xf32, #tpu.memory_space<vmem_shared>>
      %dma_start3A_92 = arith.constant 0 : i32
      %dma_start3A_93 = tpu.memref_slice %arg18[%mul3A_16, %dma_start3A_92] : memref<5008x128xf32, #tpu.memory_space<vmem_shared>> -> memref<128x128xf32, #tpu.memory_space<vmem_shared>>
      tpu.enqueue_dma source(%arg15 : memref<128x128xf32, #tpu.memory_space<vmem>>) target(%dma_start3A_93 : memref<128x128xf32, #tpu.memory_space<vmem_shared>>) target_semaphore(%run_scoped3A : memref<!tpu.dma_semaphore, #tpu.memory_space<semaphore_mem>>)
      %dma_wait3A = arith.constant 0 : i32
      %dma_wait3A_94 = tpu.memref_slice %arg18[%mul3A_16, %dma_wait3A] : memref<5008x128xf32, #tpu.memory_space<vmem_shared>> -> memref<128x128xf32, #tpu.memory_space<vmem_shared>>
      %dma_wait3A_95 = arith.constant 0 : i32
      %dma_wait3A_96 = tpu.memref_slice %arg18[%mul3A_16, %dma_wait3A_95] : memref<5008x128xf32, #tpu.memory_space<vmem_shared>> -> memref<128x128xf32, #tpu.memory_space<vmem_shared>>
      tpu.wait_dma2 semaphore(%run_scoped3A : memref<!tpu.dma_semaphore, #tpu.memory_space<semaphore_mem>>) src(%arg15 : memref<128x128xf32, #tpu.memory_space<vmem>>) dst(%dma_wait3A_96 : memref<128x128xf32, #tpu.memory_space<vmem_shared>>)
      tpu.yield
    }) : () -> ()
    %add3A_17 = arith.constant 128 : i32
    %add3A_18 = arith.addi %mul3A_16, %add3A_17 : i32
    "tpu.region"() ({
      %run_scoped3A = tpu.sem_alloc : memref<!tpu.dma_semaphore, #tpu.memory_space<semaphore_mem>>
      %dma_start3A = arith.constant 0 : i32
      %dma_start3A_91 = tpu.memref_slice %arg18[%add3A_18, %dma_start3A] : memref<5008x128xf32, #tpu.memory_space<vmem_shared>> -> memref<128x128xf32, #tpu.memory_space<vmem_shared>>
      %dma_start3A_92 = arith.constant 0 : i32
      %dma_start3A_93 = tpu.memref_slice %arg18[%add3A_18, %dma_start3A_92] : memref<5008x128xf32, #tpu.memory_space<vmem_shared>> -> memref<128x128xf32, #tpu.memory_space<vmem_shared>>
      tpu.enqueue_dma source(%arg15 : memref<128x128xf32, #tpu.memory_space<vmem>>) target(%dma_start3A_93 : memref<128x128xf32, #tpu.memory_space<vmem_shared>>) target_semaphore(%run_scoped3A : memref<!tpu.dma_semaphore, #tpu.memory_space<semaphore_mem>>)
      %dma_wait3A = arith.constant 0 : i32
      %dma_wait3A_94 = tpu.memref_slice %arg18[%add3A_18, %dma_wait3A] : memref<5008x128xf32, #tpu.memory_space<vmem_shared>> -> memref<128x128xf32, #tpu.memory_space<vmem_shared>>
      %dma_wait3A_95 = arith.constant 0 : i32
      %dma_wait3A_96 = tpu.memref_slice %arg18[%add3A_18, %dma_wait3A_95] : memref<5008x128xf32, #tpu.memory_space<vmem_shared>> -> memref<128x128xf32, #tpu.memory_space<vmem_shared>>
      tpu.wait_dma2 semaphore(%run_scoped3A : memref<!tpu.dma_semaphore, #tpu.memory_space<semaphore_mem>>) src(%arg15 : memref<128x128xf32, #tpu.memory_space<vmem>>) dst(%dma_wait3A_96 : memref<128x128xf32, #tpu.memory_space<vmem_shared>>)
      tpu.yield
    }) : () -> ()
    %add3A_19 = arith.constant 256 : i32
    %add3A_20 = arith.addi %mul3A_16, %add3A_19 : i32
    "tpu.region"() ({
      %run_scoped3A = tpu.sem_alloc : memref<!tpu.dma_semaphore, #tpu.memory_space<semaphore_mem>>
      %dma_start3A = arith.constant 0 : i32
      %dma_start3A_91 = arith.constant 0 : i32
      %dma_start3A_92 = tpu.memref_slice %arg15[%dma_start3A, %dma_start3A_91] : memref<128x128xf32, #tpu.memory_space<vmem>> -> memref<56x128xf32, #tpu.memory_space<vmem>>
      %dma_start3A_93 = arith.constant 0 : i32
      %dma_start3A_94 = tpu.memref_slice %arg18[%add3A_20, %dma_start3A_93] : memref<5008x128xf32, #tpu.memory_space<vmem_shared>> -> memref<56x128xf32, #tpu.memory_space<vmem_shared>>
      %dma_start3A_95 = arith.constant 0 : i32
      %dma_start3A_96 = tpu.memref_slice %arg18[%add3A_20, %dma_start3A_95] : memref<5008x128xf32, #tpu.memory_space<vmem_shared>> -> memref<56x128xf32, #tpu.memory_space<vmem_shared>>
      %dma_start3A_97 = arith.constant 0 : i32
      %dma_start3A_98 = arith.constant 0 : i32
      %dma_start3A_99 = tpu.memref_slice %arg15[%dma_start3A_97, %dma_start3A_98] : memref<128x128xf32, #tpu.memory_space<vmem>> -> memref<56x128xf32, #tpu.memory_space<vmem>>
      tpu.enqueue_dma source(%dma_start3A_99 : memref<56x128xf32, #tpu.memory_space<vmem>>) target(%dma_start3A_96 : memref<56x128xf32, #tpu.memory_space<vmem_shared>>) target_semaphore(%run_scoped3A : memref<!tpu.dma_semaphore, #tpu.memory_space<semaphore_mem>>)
      %dma_wait3A = arith.constant 0 : i32
      %dma_wait3A_100 = arith.constant 0 : i32
      %dma_wait3A_101 = tpu.memref_slice %arg15[%dma_wait3A, %dma_wait3A_100] : memref<128x128xf32, #tpu.memory_space<vmem>> -> memref<56x128xf32, #tpu.memory_space<vmem>>
      %dma_wait3A_102 = arith.constant 0 : i32
      %dma_wait3A_103 = tpu.memref_slice %arg18[%add3A_20, %dma_wait3A_102] : memref<5008x128xf32, #tpu.memory_space<vmem_shared>> -> memref<56x128xf32, #tpu.memory_space<vmem_shared>>
      %dma_wait3A_104 = arith.constant 0 : i32
      %dma_wait3A_105 = tpu.memref_slice %arg18[%add3A_20, %dma_wait3A_104] : memref<5008x128xf32, #tpu.memory_space<vmem_shared>> -> memref<56x128xf32, #tpu.memory_space<vmem_shared>>
      %dma_wait3A_106 = arith.constant 0 : i32
      %dma_wait3A_107 = arith.constant 0 : i32
      %dma_wait3A_108 = tpu.memref_slice %arg15[%dma_wait3A_106, %dma_wait3A_107] : memref<128x128xf32, #tpu.memory_space<vmem>> -> memref<56x128xf32, #tpu.memory_space<vmem>>
      tpu.wait_dma2 semaphore(%run_scoped3A : memref<!tpu.dma_semaphore, #tpu.memory_space<semaphore_mem>>) src(%dma_wait3A_108 : memref<56x128xf32, #tpu.memory_space<vmem>>) dst(%dma_wait3A_105 : memref<56x128xf32, #tpu.memory_space<vmem_shared>>)
      tpu.yield
    }) : () -> ()
    %eq3A = arith.constant 0 : i32
    %eq3A_21 = arith.cmpi eq, %arg1, %eq3A : i32
    %convert_element_type3A = arith.extui %eq3A_21 : i1 to i32
    %cond3A = arith.constant 0 : i32
    %cond3A_22 = arith.cmpi ne, %convert_element_type3A, %cond3A : i32
    scf.if %cond3A_22 {
      "tpu.region"() ({
        %run_scoped3A = tpu.sem_alloc : memref<!tpu.dma_semaphore, #tpu.memory_space<semaphore_mem>>
        %dma_start3A = arith.constant 0 : i32
        %dma_start3A_91 = arith.constant 0 : i32
        %dma_start3A_92 = tpu.memref_slice %arg15[%dma_start3A, %dma_start3A_91] : memref<128x128xf32, #tpu.memory_space<vmem>> -> memref<16x128xf32, #tpu.memory_space<vmem>>
        %dma_start3A_93 = arith.constant 4992 : i32
        %dma_start3A_94 = arith.constant 0 : i32
        %dma_start3A_95 = tpu.memref_slice %arg18[%dma_start3A_93, %dma_start3A_94] : memref<5008x128xf32, #tpu.memory_space<vmem_shared>> -> memref<16x128xf32, #tpu.memory_space<vmem_shared>>
        %dma_start3A_96 = arith.constant 4992 : i32
        %dma_start3A_97 = arith.constant 0 : i32
        %dma_start3A_98 = tpu.memref_slice %arg18[%dma_start3A_96, %dma_start3A_97] : memref<5008x128xf32, #tpu.memory_space<vmem_shared>> -> memref<16x128xf32, #tpu.memory_space<vmem_shared>>
        %dma_start3A_99 = arith.constant 0 : i32
        %dma_start3A_100 = arith.constant 0 : i32
        %dma_start3A_101 = tpu.memref_slice %arg15[%dma_start3A_99, %dma_start3A_100] : memref<128x128xf32, #tpu.memory_space<vmem>> -> memref<16x128xf32, #tpu.memory_space<vmem>>
        tpu.enqueue_dma source(%dma_start3A_101 : memref<16x128xf32, #tpu.memory_space<vmem>>) target(%dma_start3A_98 : memref<16x128xf32, #tpu.memory_space<vmem_shared>>) target_semaphore(%run_scoped3A : memref<!tpu.dma_semaphore, #tpu.memory_space<semaphore_mem>>)
        %dma_wait3A = arith.constant 0 : i32
        %dma_wait3A_102 = arith.constant 0 : i32
        %dma_wait3A_103 = tpu.memref_slice %arg15[%dma_wait3A, %dma_wait3A_102] : memref<128x128xf32, #tpu.memory_space<vmem>> -> memref<16x128xf32, #tpu.memory_space<vmem>>
        %dma_wait3A_104 = arith.constant 4992 : i32
        %dma_wait3A_105 = arith.constant 0 : i32
        %dma_wait3A_106 = tpu.memref_slice %arg18[%dma_wait3A_104, %dma_wait3A_105] : memref<5008x128xf32, #tpu.memory_space<vmem_shared>> -> memref<16x128xf32, #tpu.memory_space<vmem_shared>>
        %dma_wait3A_107 = arith.constant 4992 : i32
        %dma_wait3A_108 = arith.constant 0 : i32
        %dma_wait3A_109 = tpu.memref_slice %arg18[%dma_wait3A_107, %dma_wait3A_108] : memref<5008x128xf32, #tpu.memory_space<vmem_shared>> -> memref<16x128xf32, #tpu.memory_space<vmem_shared>>
        %dma_wait3A_110 = arith.constant 0 : i32
        %dma_wait3A_111 = arith.constant 0 : i32
        %dma_wait3A_112 = tpu.memref_slice %arg15[%dma_wait3A_110, %dma_wait3A_111] : memref<128x128xf32, #tpu.memory_space<vmem>> -> memref<16x128xf32, #tpu.memory_space<vmem>>
        tpu.wait_dma2 semaphore(%run_scoped3A : memref<!tpu.dma_semaphore, #tpu.memory_space<semaphore_mem>>) src(%dma_wait3A_112 : memref<16x128xf32, #tpu.memory_space<vmem>>) dst(%dma_wait3A_109 : memref<16x128xf32, #tpu.memory_space<vmem_shared>>)
        tpu.yield
      }) : () -> ()
    } else {
    }
    %barrier3A = arith.constant 0 : index
    tpu.barrier barrier_id(%barrier3A)
    "tpu.region"() ({
      %run_scoped3A = tpu.sem_alloc : memref<!tpu.dma_semaphore, #tpu.memory_space<semaphore_mem>>
      tpu.enqueue_dma source(%arg6 : memref<128xf32, #tpu.memory_space<hbm>>) target(%arg16 : memref<128xf32, #tpu.memory_space<vmem>>) target_semaphore(%run_scoped3A : memref<!tpu.dma_semaphore, #tpu.memory_space<semaphore_mem>>)
      tpu.wait_dma2 semaphore(%run_scoped3A : memref<!tpu.dma_semaphore, #tpu.memory_space<semaphore_mem>>) src(%arg6 : memref<128xf32, #tpu.memory_space<hbm>>) dst(%arg16 : memref<128xf32, #tpu.memory_space<vmem>>)
      tpu.yield
    }) : () -> ()
    %mul3A_23 = arith.constant 64 : i32
    %mul3A_24 = arith.muli %mul3A_23, %arg0 : i32
    %add3A_25 = arith.constant 0 : i32
    %add3A_26 = arith.addi %mul3A_24, %add3A_25 : i32
    %get3A = arith.index_cast %add3A_26 : i32 to index
    %get3A_27 = tpu.vector_load %arg16[%get3A] {strides = array<i32>} : memref<128xf32, #tpu.memory_space<vmem>>, vector<16xf32>,
    %get3A_28 = vector.shape_cast %get3A_27 : vector<16xf32> to vector<16xf32>
    %mul3A_29 = arith.constant 64 : i32
    %mul3A_30 = arith.muli %mul3A_29, %arg0 : i32
    %add3A_31 = arith.constant 16 : i32
    %add3A_32 = arith.addi %mul3A_30, %add3A_31 : i32
    %get3A_33 = arith.index_cast %add3A_32 : i32 to index
    %get3A_34 = tpu.vector_load %arg16[%get3A_33] {strides = array<i32>} : memref<128xf32, #tpu.memory_space<vmem>>, vector<16xf32>,
    %get3A_35 = vector.shape_cast %get3A_34 : vector<16xf32> to vector<16xf32>
    %mul3A_36 = arith.constant 64 : i32
    %mul3A_37 = arith.muli %mul3A_36, %arg0 : i32
    %add3A_38 = arith.constant 32 : i32
    %add3A_39 = arith.addi %mul3A_37, %add3A_38 : i32
    %get3A_40 = arith.index_cast %add3A_39 : i32 to index
    %get3A_41 = tpu.vector_load %arg16[%get3A_40] {strides = array<i32>} : memref<128xf32, #tpu.memory_space<vmem>>, vector<16xf32>,
    %get3A_42 = vector.shape_cast %get3A_41 : vector<16xf32> to vector<16xf32>
    %mul3A_43 = arith.constant 64 : i32
    %mul3A_44 = arith.muli %mul3A_43, %arg0 : i32
    %add3A_45 = arith.constant 48 : i32
    %add3A_46 = arith.addi %mul3A_44, %add3A_45 : i32
    %get3A_47 = arith.index_cast %add3A_46 : i32 to index
    %get3A_48 = tpu.vector_load %arg16[%get3A_47] {strides = array<i32>} : memref<128xf32, #tpu.memory_space<vmem>>, vector<16xf32>,
    %get3A_49 = vector.shape_cast %get3A_48 : vector<16xf32> to vector<16xf32>
    %iota3A = tpu.iota {dimensions = array<i32: 0>} : vector<16xi32>
    %xor3A = arith.constant 8 : i32
    %xor3A_50 = vector.broadcast %xor3A : i32 to vector<16xi32>
    %xor3A_51 = arith.xori %iota3A, %xor3A_50 : vector<16xi32>
    %xor3A_52 = arith.constant 4 : i32
    %xor3A_53 = vector.broadcast %xor3A_52 : i32 to vector<16xi32>
    %xor3A_54 = arith.xori %iota3A, %xor3A_53 : vector<16xi32>
    %xor3A_55 = arith.constant 2 : i32
    %xor3A_56 = vector.broadcast %xor3A_55 : i32 to vector<16xi32>
    %xor3A_57 = arith.xori %iota3A, %xor3A_56 : vector<16xi32>
    %xor3A_58 = arith.constant 1 : i32
    %xor3A_59 = vector.broadcast %xor3A_58 : i32 to vector<16xi32>
    %xor3A_60 = arith.xori %iota3A, %xor3A_59 : vector<16xi32>
    %broadcast_in_dim3A_61 = arith.constant 0 : i32
    %broadcast_in_dim3A_62 = vector.broadcast %broadcast_in_dim3A_61 : i32 to vector<16xi32>
    %add3A_63 = arith.constant 8 : i32
    %add3A_64 = vector.broadcast %add3A_63 : i32 to vector<16xi32>
    %add3A_65 = arith.addi %broadcast_in_dim3A_62, %add3A_64 : vector<16xi32>
    %scan3A_66 = arith.constant 0 : i32
    %scan3A_67 = arith.constant 0 : i32
    %scan3A_68 = arith.constant 162 : i32
    %scan3A_69 = arith.addi %scan3A_67, %scan3A_68 : i32
    %scan3A_70 = arith.constant 1 : i32
    %scan3A_71 = scf.for %scan3A_91 = %scan3A_67 to %scan3A_69 step %scan3A_70 iter_args(%scan3A_92 = %scan3A_66) -> (i32)  : i32 {
      %mul3A_93 = arith.constant 20736 : i32
      %mul3A_94 = arith.muli %arg1, %mul3A_93 : i32
      %mul3A_95 = arith.constant 128 : i32
      %mul3A_96 = arith.muli %scan3A_91, %mul3A_95 : i32
      %add3A_97 = arith.addi %mul3A_94, %mul3A_96 : i32
      "tpu.region"() ({
        %run_scoped3A = tpu.sem_alloc : memref<!tpu.dma_semaphore, #tpu.memory_space<semaphore_mem>>
        %dma_start3A_196 = tpu.memref_slice %arg5[%add3A_97] : memref<331776xi32, #tpu.memory_space<hbm>> -> memref<128xi32, #tpu.memory_space<hbm>>
        %dma_start3A_197 = tpu.memref_slice %arg5[%add3A_97] : memref<331776xi32, #tpu.memory_space<hbm>> -> memref<128xi32, #tpu.memory_space<hbm>>
        tpu.enqueue_dma source(%dma_start3A_197 : memref<128xi32, #tpu.memory_space<hbm>>) target(%arg10 : memref<128xi32, #tpu.memory_space<vmem>>) target_semaphore(%run_scoped3A : memref<!tpu.dma_semaphore, #tpu.memory_space<semaphore_mem>>)
        %dma_wait3A_198 = tpu.memref_slice %arg5[%add3A_97] : memref<331776xi32, #tpu.memory_space<hbm>> -> memref<128xi32, #tpu.memory_space<hbm>>
        %dma_wait3A_199 = tpu.memref_slice %arg5[%add3A_97] : memref<331776xi32, #tpu.memory_space<hbm>> -> memref<128xi32, #tpu.memory_space<hbm>>
        tpu.wait_dma2 semaphore(%run_scoped3A : memref<!tpu.dma_semaphore, #tpu.memory_space<semaphore_mem>>) src(%dma_wait3A_199 : memref<128xi32, #tpu.memory_space<hbm>>) dst(%arg10 : memref<128xi32, #tpu.memory_space<vmem>>)
        tpu.yield
      }) : () -> ()
      "tpu.region"() ({
        %run_scoped3A = tpu.sem_alloc : memref<!tpu.dma_semaphore, #tpu.memory_space<semaphore_mem>>
        %dma_start3A_196 = arith.constant 0 : i32
        %dma_start3A_197 = tpu.memref_slice %arg11[%dma_start3A_196] : memref<144xi32, #tpu.memory_space<vmem>> -> memref<128xi32, #tpu.memory_space<vmem>>
        %dma_start3A_198 = tpu.memref_slice %arg5[%add3A_97] : memref<331776xi32, #tpu.memory_space<hbm>> -> memref<128xi32, #tpu.memory_space<hbm>>
        %dma_start3A_199 = arith.constant 0 : i32
        %dma_start3A_200 = tpu.memref_slice %arg11[%dma_start3A_199] : memref<144xi32, #tpu.memory_space<vmem>> -> memref<128xi32, #tpu.memory_space<vmem>>
        %dma_start3A_201 = tpu.memref_slice %arg5[%add3A_97] : memref<331776xi32, #tpu.memory_space<hbm>> -> memref<128xi32, #tpu.memory_space<hbm>>
        tpu.enqueue_dma source(%dma_start3A_201 : memref<128xi32, #tpu.memory_space<hbm>>) target(%dma_start3A_200 : memref<128xi32, #tpu.memory_space<vmem>>) target_semaphore(%run_scoped3A : memref<!tpu.dma_semaphore, #tpu.memory_space<semaphore_mem>>)
        %dma_wait3A_202 = arith.constant 0 : i32
        %dma_wait3A_203 = tpu.memref_slice %arg11[%dma_wait3A_202] : memref<144xi32, #tpu.memory_space<vmem>> -> memref<128xi32, #tpu.memory_space<vmem>>
        %dma_wait3A_204 = tpu.memref_slice %arg5[%add3A_97] : memref<331776xi32, #tpu.memory_space<hbm>> -> memref<128xi32, #tpu.memory_space<hbm>>
        %dma_wait3A_205 = arith.constant 0 : i32
        %dma_wait3A_206 = tpu.memref_slice %arg11[%dma_wait3A_205] : memref<144xi32, #tpu.memory_space<vmem>> -> memref<128xi32, #tpu.memory_space<vmem>>
        %dma_wait3A_207 = tpu.memref_slice %arg5[%add3A_97] : memref<331776xi32, #tpu.memory_space<hbm>> -> memref<128xi32, #tpu.memory_space<hbm>>
        tpu.wait_dma2 semaphore(%run_scoped3A : memref<!tpu.dma_semaphore, #tpu.memory_space<semaphore_mem>>) src(%dma_wait3A_207 : memref<128xi32, #tpu.memory_space<hbm>>) dst(%dma_wait3A_206 : memref<128xi32, #tpu.memory_space<vmem>>)
        tpu.yield
      }) : () -> ()
      "tpu.region"() ({
        %run_scoped3A = tpu.sem_alloc : memref<!tpu.dma_semaphore, #tpu.memory_space<semaphore_mem>>
        %dma_start3A_196 = tpu.memref_slice %arg4[%add3A_97] : memref<331776xi32, #tpu.memory_space<hbm>> -> memref<128xi32, #tpu.memory_space<hbm>>
        %dma_start3A_197 = tpu.memref_slice %arg4[%add3A_97] : memref<331776xi32, #tpu.memory_space<hbm>> -> memref<128xi32, #tpu.memory_space<hbm>>
        tpu.enqueue_dma source(%dma_start3A_197 : memref<128xi32, #tpu.memory_space<hbm>>) target(%arg9 : memref<128xi32, #tpu.memory_space<vmem>>) target_semaphore(%run_scoped3A : memref<!tpu.dma_semaphore, #tpu.memory_space<semaphore_mem>>)
        %dma_wait3A_198 = tpu.memref_slice %arg4[%add3A_97] : memref<331776xi32, #tpu.memory_space<hbm>> -> memref<128xi32, #tpu.memory_space<hbm>>
        %dma_wait3A_199 = tpu.memref_slice %arg4[%add3A_97] : memref<331776xi32, #tpu.memory_space<hbm>> -> memref<128xi32, #tpu.memory_space<hbm>>
        tpu.wait_dma2 semaphore(%run_scoped3A : memref<!tpu.dma_semaphore, #tpu.memory_space<semaphore_mem>>) src(%dma_wait3A_199 : memref<128xi32, #tpu.memory_space<hbm>>) dst(%arg9 : memref<128xi32, #tpu.memory_space<vmem>>)
        tpu.yield
      }) : () -> ()
      %get3A_98 = arith.constant 0 : index
      %get3A_99 = tpu.vector_load %arg10[%get3A_98] {strides = array<i32>} : memref<128xi32, #tpu.memory_space<vmem>>, vector<16xi32>,
      %get3A_100 = vector.shape_cast %get3A_99 : vector<16xi32> to vector<16xi32>
      %shift_right_logical3A = arith.constant 1 : i32
      %shift_right_logical3A_101 = vector.broadcast %shift_right_logical3A : i32 to vector<16xi32>
      %shift_right_logical3A_102 = arith.shrui %get3A_100, %shift_right_logical3A_101 : vector<16xi32>
      %swap3A = arith.constant 0 : index
      %swap3A_103 = tpu.vector_load %arg12[%swap3A] {strides = array<i32>} : memref<128xi32, #tpu.memory_space<vmem>>, vector<16xi32>,
      %swap3A_104 = vector.shape_cast %swap3A_103 : vector<16xi32> to vector<16xi32>
      %swap3A_105 = vector.shape_cast %shift_right_logical3A_102 : vector<16xi32> to vector<16xi32>
      tpu.vector_store %arg12[%swap3A], %swap3A_105 {strides = array<i32>} : memref<128xi32, #tpu.memory_space<vmem>>, vector<16xi32>,
      %get3A_106 = arith.constant 16 : index
      %get3A_107 = tpu.vector_load %arg10[%get3A_106] {strides = array<i32>} : memref<128xi32, #tpu.memory_space<vmem>>, vector<16xi32>,
      %get3A_108 = vector.shape_cast %get3A_107 : vector<16xi32> to vector<16xi32>
      %shift_right_logical3A_109 = arith.constant 1 : i32
      %shift_right_logical3A_110 = vector.broadcast %shift_right_logical3A_109 : i32 to vector<16xi32>
      %shift_right_logical3A_111 = arith.shrui %get3A_108, %shift_right_logical3A_110 : vector<16xi32>
      %swap3A_112 = arith.constant 16 : index
      %swap3A_113 = tpu.vector_load %arg12[%swap3A_112] {strides = array<i32>} : memref<128xi32, #tpu.memory_space<vmem>>, vector<16xi32>,
      %swap3A_114 = vector.shape_cast %swap3A_113 : vector<16xi32> to vector<16xi32>
      %swap3A_115 = vector.shape_cast %shift_right_logical3A_111 : vector<16xi32> to vector<16xi32>
      tpu.vector_store %arg12[%swap3A_112], %swap3A_115 {strides = array<i32>} : memref<128xi32, #tpu.memory_space<vmem>>, vector<16xi32>,
      %get3A_116 = arith.constant 32 : index
      %get3A_117 = tpu.vector_load %arg10[%get3A_116] {strides = array<i32>} : memref<128xi32, #tpu.memory_space<vmem>>, vector<16xi32>,
      %get3A_118 = vector.shape_cast %get3A_117 : vector<16xi32> to vector<16xi32>
      %shift_right_logical3A_119 = arith.constant 1 : i32
      %shift_right_logical3A_120 = vector.broadcast %shift_right_logical3A_119 : i32 to vector<16xi32>
      %shift_right_logical3A_121 = arith.shrui %get3A_118, %shift_right_logical3A_120 : vector<16xi32>
      %swap3A_122 = arith.constant 32 : index
      %swap3A_123 = tpu.vector_load %arg12[%swap3A_122] {strides = array<i32>} : memref<128xi32, #tpu.memory_space<vmem>>, vector<16xi32>,
      %swap3A_124 = vector.shape_cast %swap3A_123 : vector<16xi32> to vector<16xi32>
      %swap3A_125 = vector.shape_cast %shift_right_logical3A_121 : vector<16xi32> to vector<16xi32>
      tpu.vector_store %arg12[%swap3A_122], %swap3A_125 {strides = array<i32>} : memref<128xi32, #tpu.memory_space<vmem>>, vector<16xi32>,
      %get3A_126 = arith.constant 48 : index
      %get3A_127 = tpu.vector_load %arg10[%get3A_126] {strides = array<i32>} : memref<128xi32, #tpu.memory_space<vmem>>, vector<16xi32>,
      %get3A_128 = vector.shape_cast %get3A_127 : vector<16xi32> to vector<16xi32>
      %shift_right_logical3A_129 = arith.constant 1 : i32
      %shift_right_logical3A_130 = vector.broadcast %shift_right_logical3A_129 : i32 to vector<16xi32>
      %shift_right_logical3A_131 = arith.shrui %get3A_128, %shift_right_logical3A_130 : vector<16xi32>
      %swap3A_132 = arith.constant 48 : index
      %swap3A_133 = tpu.vector_load %arg12[%swap3A_132] {strides = array<i32>} : memref<128xi32, #tpu.memory_space<vmem>>, vector<16xi32>,
      %swap3A_134 = vector.shape_cast %swap3A_133 : vector<16xi32> to vector<16xi32>
      %swap3A_135 = vector.shape_cast %shift_right_logical3A_131 : vector<16xi32> to vector<16xi32>
      tpu.vector_store %arg12[%swap3A_132], %swap3A_135 {strides = array<i32>} : memref<128xi32, #tpu.memory_space<vmem>>, vector<16xi32>,
      %get3A_136 = arith.constant 64 : index
      %get3A_137 = tpu.vector_load %arg10[%get3A_136] {strides = array<i32>} : memref<128xi32, #tpu.memory_space<vmem>>, vector<16xi32>,
      %get3A_138 = vector.shape_cast %get3A_137 : vector<16xi32> to vector<16xi32>
      %shift_right_logical3A_139 = arith.constant 1 : i32
      %shift_right_logical3A_140 = vector.broadcast %shift_right_logical3A_139 : i32 to vector<16xi32>
      %shift_right_logical3A_141 = arith.shrui %get3A_138, %shift_right_logical3A_140 : vector<16xi32>
      %swap3A_142 = arith.constant 64 : index
      %swap3A_143 = tpu.vector_load %arg12[%swap3A_142] {strides = array<i32>} : memref<128xi32, #tpu.memory_space<vmem>>, vector<16xi32>,
      %swap3A_144 = vector.shape_cast %swap3A_143 : vector<16xi32> to vector<16xi32>
      %swap3A_145 = vector.shape_cast %shift_right_logical3A_141 : vector<16xi32> to vector<16xi32>
      tpu.vector_store %arg12[%swap3A_142], %swap3A_145 {strides = array<i32>} : memref<128xi32, #tpu.memory_space<vmem>>, vector<16xi32>,
      %get3A_146 = arith.constant 80 : index
      %get3A_147 = tpu.vector_load %arg10[%get3A_146] {strides = array<i32>} : memref<128xi32, #tpu.memory_space<vmem>>, vector<16xi32>,
      %get3A_148 = vector.shape_cast %get3A_147 : vector<16xi32> to vector<16xi32>
      %shift_right_logical3A_149 = arith.constant 1 : i32
      %shift_right_logical3A_150 = vector.broadcast %shift_right_logical3A_149 : i32 to vector<16xi32>
      %shift_right_logical3A_151 = arith.shrui %get3A_148, %shift_right_logical3A_150 : vector<16xi32>
      %swap3A_152 = arith.constant 80 : index
      %swap3A_153 = tpu.vector_load %arg12[%swap3A_152] {strides = array<i32>} : memref<128xi32, #tpu.memory_space<vmem>>, vector<16xi32>,
      %swap3A_154 = vector.shape_cast %swap3A_153 : vector<16xi32> to vector<16xi32>
      %swap3A_155 = vector.shape_cast %shift_right_logical3A_151 : vector<16xi32> to vector<16xi32>
      tpu.vector_store %arg12[%swap3A_152], %swap3A_155 {strides = array<i32>} : memref<128xi32, #tpu.memory_space<vmem>>, vector<16xi32>,
      %get3A_156 = arith.constant 96 : index
      %get3A_157 = tpu.vector_load %arg10[%get3A_156] {strides = array<i32>} : memref<128xi32, #tpu.memory_space<vmem>>, vector<16xi32>,
      %get3A_158 = vector.shape_cast %get3A_157 : vector<16xi32> to vector<16xi32>
      %shift_right_logical3A_159 = arith.constant 1 : i32
      %shift_right_logical3A_160 = vector.broadcast %shift_right_logical3A_159 : i32 to vector<16xi32>
      %shift_right_logical3A_161 = arith.shrui %get3A_158, %shift_right_logical3A_160 : vector<16xi32>
      %swap3A_162 = arith.constant 96 : index
      %swap3A_163 = tpu.vector_load %arg12[%swap3A_162] {strides = array<i32>} : memref<128xi32, #tpu.memory_space<vmem>>, vector<16xi32>,
      %swap3A_164 = vector.shape_cast %swap3A_163 : vector<16xi32> to vector<16xi32>
      %swap3A_165 = vector.shape_cast %shift_right_logical3A_161 : vector<16xi32> to vector<16xi32>
      tpu.vector_store %arg12[%swap3A_162], %swap3A_165 {strides = array<i32>} : memref<128xi32, #tpu.memory_space<vmem>>, vector<16xi32>,
      %get3A_166 = arith.constant 112 : index
      %get3A_167 = tpu.vector_load %arg10[%get3A_166] {strides = array<i32>} : memref<128xi32, #tpu.memory_space<vmem>>, vector<16xi32>,
      %get3A_168 = vector.shape_cast %get3A_167 : vector<16xi32> to vector<16xi32>
      %shift_right_logical3A_169 = arith.constant 1 : i32
      %shift_right_logical3A_170 = vector.broadcast %shift_right_logical3A_169 : i32 to vector<16xi32>
      %shift_right_logical3A_171 = arith.shrui %get3A_168, %shift_right_logical3A_170 : vector<16xi32>
      %swap3A_172 = arith.constant 112 : index
      %swap3A_173 = tpu.vector_load %arg12[%swap3A_172] {strides = array<i32>} : memref<128xi32, #tpu.memory_space<vmem>>, vector<16xi32>,
      %swap3A_174 = vector.shape_cast %swap3A_173 : vector<16xi32> to vector<16xi32>
      %swap3A_175 = vector.shape_cast %shift_right_logical3A_171 : vector<16xi32> to vector<16xi32>
      tpu.vector_store %arg12[%swap3A_172], %swap3A_175 {strides = array<i32>} : memref<128xi32, #tpu.memory_space<vmem>>, vector<16xi32>,
      %dma_start3A = arith.constant 0 : i32
      %dma_start3A_176 = arith.constant 0 : i32
      %dma_start3A_177 = tpu.memref_slice %arg2[%dma_start3A, %dma_start3A_176] : memref<10016x128xf32, #tpu.memory_space<hbm>> -> memref<10016x128xf32, #tpu.memory_space<hbm>>
      tpu.enqueue_indirect_dma source(%dma_start3A_177 : memref<10016x128xf32, #tpu.memory_space<hbm>>) target(%arg13 : memref<128x128xf32, #tpu.memory_space<vmem>>) offsets(%arg9 : memref<128xi32, #tpu.memory_space<vmem>>) semaphore(%arg19 : memref<!tpu.dma_semaphore, #tpu.memory_space<semaphore_mem>>)
      %dma_start3A_178 = arith.constant 0 : i32
      %dma_start3A_179 = arith.constant 0 : i32
      %dma_start3A_180 = tpu.memref_slice %arg3[%dma_start3A_178, %dma_start3A_179] : memref<10016x128xf32, #tpu.memory_space<hbm>> -> memref<10016x128xf32, #tpu.memory_space<hbm>>
      tpu.enqueue_indirect_dma source(%dma_start3A_180 : memref<10016x128xf32, #tpu.memory_space<hbm>>) target(%arg14 : memref<128x128xf32, #tpu.memory_space<vmem>>) offsets(%arg10 : memref<128xi32, #tpu.memory_space<vmem>>) semaphore(%arg20 : memref<!tpu.dma_semaphore, #tpu.memory_space<semaphore_mem>>)
      %dma_wait3A = arith.constant 0 : i32
      %dma_wait3A_181 = arith.constant 0 : i32
      %dma_wait3A_182 = tpu.memref_slice %arg2[%dma_wait3A, %dma_wait3A_181] : memref<10016x128xf32, #tpu.memory_space<hbm>> -> memref<10016x128xf32, #tpu.memory_space<hbm>>
      tpu.wait_indirect_dma semaphore(%arg19 : memref<!tpu.dma_semaphore, #tpu.memory_space<semaphore_mem>>) src(%dma_wait3A_182 : memref<10016x128xf32, #tpu.memory_space<hbm>>) dst(%arg13 : memref<128x128xf32, #tpu.memory_space<vmem>>)
      %dma_wait3A_183 = arith.constant 0 : i32
      %dma_wait3A_184 = arith.constant 0 : i32
      %dma_wait3A_185 = tpu.memref_slice %arg3[%dma_wait3A_183, %dma_wait3A_184] : memref<10016x128xf32, #tpu.memory_space<hbm>> -> memref<10016x128xf32, #tpu.memory_space<hbm>>
      tpu.wait_indirect_dma semaphore(%arg20 : memref<!tpu.dma_semaphore, #tpu.memory_space<semaphore_mem>>) src(%dma_wait3A_185 : memref<10016x128xf32, #tpu.memory_space<hbm>>) dst(%arg14 : memref<128x128xf32, #tpu.memory_space<vmem>>)
      %mul3A_186 = arith.constant 64 : i32
      %mul3A_187 = arith.muli %mul3A_186, %arg0 : i32
      %scan3A_188 = arith.constant 0 : i32
      %scan3A_189 = arith.constant 0 : i32
      %scan3A_190 = arith.constant 32 : i32
      %scan3A_191 = arith.addi %scan3A_189, %scan3A_190 : i32
      %scan3A_192 = arith.constant 1 : i32
      %scan3A_193 = scf.for %scan3A_196 = %scan3A_189 to %scan3A_191 step %scan3A_192 iter_args(%scan3A_197 = %scan3A_188) -> (i32)  : i32 {
        %mul3A_198 = arith.constant 4 : i32
        %mul3A_199 = arith.muli %scan3A_196, %mul3A_198 : i32
        %add3A_200 = arith.constant 0 : i32
        %add3A_201 = arith.addi %mul3A_199, %add3A_200 : i32
        %add3A_202 = arith.constant 0 : i32
        %add3A_203 = arith.addi %mul3A_187, %add3A_202 : i32
        %get3A_204 = arith.index_cast %add3A_201 : i32 to index
        %get3A_205 = arith.index_cast %add3A_203 : i32 to index
        %get3A_206 = tpu.vector_load %arg13[%get3A_204, %get3A_205] {strides = array<i32>} : memref<128x128xf32, #tpu.memory_space<vmem>>, vector<1x16xf32>,
        %get3A_207 = vector.shape_cast %get3A_206 : vector<1x16xf32> to vector<16xf32>
        %add3A_208 = arith.constant 0 : i32
        %add3A_209 = arith.addi %mul3A_187, %add3A_208 : i32
        %get3A_210 = arith.index_cast %add3A_201 : i32 to index
        %get3A_211 = arith.index_cast %add3A_209 : i32 to index
        %get3A_212 = tpu.vector_load %arg14[%get3A_210, %get3A_211] {strides = array<i32>} : memref<128x128xf32, #tpu.memory_space<vmem>>, vector<1x16xf32>,
        %get3A_213 = vector.shape_cast %get3A_212 : vector<1x16xf32> to vector<16xf32>
        %add3A_214 = arith.addf %get3A_207, %get3A_213 : vector<16xf32>
        %mul3A_215 = arith.constant 2.000000e-01 : f32
        %mul3A_216 = vector.broadcast %mul3A_215 : f32 to vector<16xf32>
        %mul3A_217 = arith.mulf %mul3A_216, %add3A_214 : vector<16xf32>
        %max3A = arith.maximumf %add3A_214, %mul3A_217 : vector<16xf32>
        %mul3A_218 = arith.mulf %max3A, %get3A_28 : vector<16xf32>
        %add3A_219 = arith.constant 16 : i32
        %add3A_220 = arith.addi %mul3A_187, %add3A_219 : i32
        %get3A_221 = arith.index_cast %add3A_201 : i32 to index
        %get3A_222 = arith.index_cast %add3A_220 : i32 to index
        %get3A_223 = tpu.vector_load %arg13[%get3A_221, %get3A_222] {strides = array<i32>} : memref<128x128xf32, #tpu.memory_space<vmem>>, vector<1x16xf32>,
        %get3A_224 = vector.shape_cast %get3A_223 : vector<1x16xf32> to vector<16xf32>
        %add3A_225 = arith.constant 16 : i32
        %add3A_226 = arith.addi %mul3A_187, %add3A_225 : i32
        %get3A_227 = arith.index_cast %add3A_201 : i32 to index
        %get3A_228 = arith.index_cast %add3A_226 : i32 to index
        %get3A_229 = tpu.vector_load %arg14[%get3A_227, %get3A_228] {strides = array<i32>} : memref<128x128xf32, #tpu.memory_space<vmem>>, vector<1x16xf32>,
        %get3A_230 = vector.shape_cast %get3A_229 : vector<1x16xf32> to vector<16xf32>
        %add3A_231 = arith.addf %get3A_224, %get3A_230 : vector<16xf32>
        %mul3A_232 = arith.constant 2.000000e-01 : f32
        %mul3A_233 = vector.broadcast %mul3A_232 : f32 to vector<16xf32>
        %mul3A_234 = arith.mulf %mul3A_233, %add3A_231 : vector<16xf32>
        %max3A_235 = arith.maximumf %add3A_231, %mul3A_234 : vector<16xf32>
        %mul3A_236 = arith.mulf %max3A_235, %get3A_35 : vector<16xf32>
        %add3A_237 = arith.constant 32 : i32
        %add3A_238 = arith.addi %mul3A_187, %add3A_237 : i32
        %get3A_239 = arith.index_cast %add3A_201 : i32 to index
        %get3A_240 = arith.index_cast %add3A_238 : i32 to index
        %get3A_241 = tpu.vector_load %arg13[%get3A_239, %get3A_240] {strides = array<i32>} : memref<128x128xf32, #tpu.memory_space<vmem>>, vector<1x16xf32>,
        %get3A_242 = vector.shape_cast %get3A_241 : vector<1x16xf32> to vector<16xf32>
        %add3A_243 = arith.constant 32 : i32
        %add3A_244 = arith.addi %mul3A_187, %add3A_243 : i32
        %get3A_245 = arith.index_cast %add3A_201 : i32 to index
        %get3A_246 = arith.index_cast %add3A_244 : i32 to index
        %get3A_247 = tpu.vector_load %arg14[%get3A_245, %get3A_246] {strides = array<i32>} : memref<128x128xf32, #tpu.memory_space<vmem>>, vector<1x16xf32>,
        %get3A_248 = vector.shape_cast %get3A_247 : vector<1x16xf32> to vector<16xf32>
        %add3A_249 = arith.addf %get3A_242, %get3A_248 : vector<16xf32>
        %mul3A_250 = arith.constant 2.000000e-01 : f32
        %mul3A_251 = vector.broadcast %mul3A_250 : f32 to vector<16xf32>
        %mul3A_252 = arith.mulf %mul3A_251, %add3A_249 : vector<16xf32>
        %max3A_253 = arith.maximumf %add3A_249, %mul3A_252 : vector<16xf32>
        %mul3A_254 = arith.mulf %max3A_253, %get3A_42 : vector<16xf32>
        %add3A_255 = arith.constant 48 : i32
        %add3A_256 = arith.addi %mul3A_187, %add3A_255 : i32
        %get3A_257 = arith.index_cast %add3A_201 : i32 to index
        %get3A_258 = arith.index_cast %add3A_256 : i32 to index
        %get3A_259 = tpu.vector_load %arg13[%get3A_257, %get3A_258] {strides = array<i32>} : memref<128x128xf32, #tpu.memory_space<vmem>>, vector<1x16xf32>,
        %get3A_260 = vector.shape_cast %get3A_259 : vector<1x16xf32> to vector<16xf32>
        %add3A_261 = arith.constant 48 : i32
        %add3A_262 = arith.addi %mul3A_187, %add3A_261 : i32
        %get3A_263 = arith.index_cast %add3A_201 : i32 to index
        %get3A_264 = arith.index_cast %add3A_262 : i32 to index
        %get3A_265 = tpu.vector_load %arg14[%get3A_263, %get3A_264] {strides = array<i32>} : memref<128x128xf32, #tpu.memory_space<vmem>>, vector<1x16xf32>,
        %get3A_266 = vector.shape_cast %get3A_265 : vector<1x16xf32> to vector<16xf32>
        %add3A_267 = arith.addf %get3A_260, %get3A_266 : vector<16xf32>
        %mul3A_268 = arith.constant 2.000000e-01 : f32
        %mul3A_269 = vector.broadcast %mul3A_268 : f32 to vector<16xf32>
        %mul3A_270 = arith.mulf %mul3A_269, %add3A_267 : vector<16xf32>
        %max3A_271 = arith.maximumf %add3A_267, %mul3A_270 : vector<16xf32>
        %mul3A_272 = arith.mulf %max3A_271, %get3A_49 : vector<16xf32>
        %get3A_273 = arith.index_cast %add3A_201 : i32 to index
        %get3A_274 = tpu.vector_load %arg11[%get3A_273] {strides = array<i32>} : memref<144xi32, #tpu.memory_space<vmem>>, vector<16xi32>,
        %get3A_275 = vector.shape_cast %get3A_274 : vector<16xi32> to vector<16xi32>
        %slice3A = vector.extract_strided_slice %get3A_275 {offsets = [0], sizes = [1], strides = [1]} : vector<16xi32> to vector<1xi32>
        %squeeze3A = vector.extract %slice3A[0] : i32 from vector<1xi32>
        %and3A = arith.constant 1 : i32
        %and3A_276 = arith.andi %squeeze3A, %and3A : i32
        %mul3A_277 = arith.constant 64 : i32
        %mul3A_278 = arith.muli %and3A_276, %mul3A_277 : i32
        %add3A_279 = arith.addf %mul3A_218, %mul3A_236 : vector<16xf32>
        %add3A_280 = arith.addf %mul3A_254, %mul3A_272 : vector<16xf32>
        %broadcast_in_dim3A_281 = vector.shape_cast %xor3A_51 : vector<16xi32> to vector<16x1xi32>
        %gather3A = vector.shape_cast %broadcast_in_dim3A_281 : vector<16x1xi32> to vector<16xi32>
        %gather3A_282 = tpu.dynamic_gather %add3A_279[%gather3A] in [0] : vector<16xf32>, vector<16xi32> -> vector<16xf32>
        %add3A_283 = arith.addf %add3A_279, %gather3A_282 : vector<16xf32>
        %broadcast_in_dim3A_284 = vector.shape_cast %xor3A_51 : vector<16xi32> to vector<16x1xi32>
        %gather3A_285 = vector.shape_cast %broadcast_in_dim3A_284 : vector<16x1xi32> to vector<16xi32>
        %gather3A_286 = tpu.dynamic_gather %add3A_280[%gather3A_285] in [0] : vector<16xf32>, vector<16xi32> -> vector<16xf32>
        %add3A_287 = arith.addf %add3A_280, %gather3A_286 : vector<16xf32>
        %lt3A = arith.constant 8 : i32
        %lt3A_288 = vector.broadcast %lt3A : i32 to vector<16xi32>
        %lt3A_289 = arith.cmpi slt, %iota3A, %lt3A_288 : vector<16xi32>
        %select_n3A = arith.select %lt3A_289, %add3A_283, %add3A_287 : vector<16xi1>, vector<16xf32>
        %broadcast_in_dim3A_290 = vector.shape_cast %xor3A_54 : vector<16xi32> to vector<16x1xi32>
        %gather3A_291 = vector.shape_cast %broadcast_in_dim3A_290 : vector<16x1xi32> to vector<16xi32>
        %gather3A_292 = tpu.dynamic_gather %select_n3A[%gather3A_291] in [0] : vector<16xf32>, vector<16xi32> -> vector<16xf32>
        %add3A_293 = arith.addf %select_n3A, %gather3A_292 : vector<16xf32>
        %broadcast_in_dim3A_294 = vector.shape_cast %xor3A_57 : vector<16xi32> to vector<16x1xi32>
        %gather3A_295 = vector.shape_cast %broadcast_in_dim3A_294 : vector<16x1xi32> to vector<16xi32>
        %gather3A_296 = tpu.dynamic_gather %add3A_293[%gather3A_295] in [0] : vector<16xf32>, vector<16xi32> -> vector<16xf32>
        %add3A_297 = arith.addf %add3A_293, %gather3A_296 : vector<16xf32>
        %broadcast_in_dim3A_298 = vector.shape_cast %xor3A_60 : vector<16xi32> to vector<16x1xi32>
        %gather3A_299 = vector.shape_cast %broadcast_in_dim3A_298 : vector<16x1xi32> to vector<16xi32>
        %gather3A_300 = tpu.dynamic_gather %add3A_297[%gather3A_299] in [0] : vector<16xf32>, vector<16xi32> -> vector<16xf32>
        %add3A_301 = arith.addf %add3A_297, %gather3A_300 : vector<16xf32>
        %exp3A = math.exp %add3A_301 : vector<16xf32>
        %broadcast_in_dim3A_302 = vector.shape_cast %broadcast_in_dim3A_62 : vector<16xi32> to vector<16x1xi32>
        %gather3A_303 = vector.shape_cast %broadcast_in_dim3A_302 : vector<16x1xi32> to vector<16xi32>
        %gather3A_304 = tpu.dynamic_gather %exp3A[%gather3A_303] in [0] : vector<16xf32>, vector<16xi32> -> vector<16xf32>
        %broadcast_in_dim3A_305 = vector.shape_cast %add3A_65 : vector<16xi32> to vector<16x1xi32>
        %gather3A_306 = vector.shape_cast %broadcast_in_dim3A_305 : vector<16x1xi32> to vector<16xi32>
        %gather3A_307 = tpu.dynamic_gather %exp3A[%gather3A_306] in [0] : vector<16xf32>, vector<16xi32> -> vector<16xf32>
        %mul3A_308 = arith.mulf %get3A_207, %gather3A_304 : vector<16xf32>
        %swap3A_309 = arith.index_cast %add3A_201 : i32 to index
        %swap3A_310 = arith.index_cast %mul3A_278 : i32 to index
        %swap3A_311 = tpu.vector_load %arg15[%swap3A_309, %swap3A_310] {strides = array<i32>} : memref<128x128xf32, #tpu.memory_space<vmem>>, vector<1x16xf32>,
        %swap3A_312 = vector.shape_cast %swap3A_311 : vector<1x16xf32> to vector<16xf32>
        %swap3A_313 = vector.shape_cast %mul3A_308 : vector<16xf32> to vector<1x16xf32>
        tpu.vector_store %arg15[%swap3A_309, %swap3A_310], %swap3A_313 {strides = array<i32>} : memref<128x128xf32, #tpu.memory_space<vmem>>, vector<1x16xf32>,
        %mul3A_314 = arith.mulf %get3A_224, %gather3A_304 : vector<16xf32>
        %add3A_315 = arith.constant 16 : i32
        %add3A_316 = arith.addi %mul3A_278, %add3A_315 : i32
        %swap3A_317 = arith.index_cast %add3A_201 : i32 to index
        %swap3A_318 = arith.index_cast %add3A_316 : i32 to index
        %swap3A_319 = tpu.vector_load %arg15[%swap3A_317, %swap3A_318] {strides = array<i32>} : memref<128x128xf32, #tpu.memory_space<vmem>>, vector<1x16xf32>,
        %swap3A_320 = vector.shape_cast %swap3A_319 : vector<1x16xf32> to vector<16xf32>
        %swap3A_321 = vector.shape_cast %mul3A_314 : vector<16xf32> to vector<1x16xf32>
        tpu.vector_store %arg15[%swap3A_317, %swap3A_318], %swap3A_321 {strides = array<i32>} : memref<128x128xf32, #tpu.memory_space<vmem>>, vector<1x16xf32>,
        %mul3A_322 = arith.mulf %get3A_242, %gather3A_307 : vector<16xf32>
        %add3A_323 = arith.constant 32 : i32
        %add3A_324 = arith.addi %mul3A_278, %add3A_323 : i32
        %swap3A_325 = arith.index_cast %add3A_201 : i32 to index
        %swap3A_326 = arith.index_cast %add3A_324 : i32 to index
        %swap3A_327 = tpu.vector_load %arg15[%swap3A_325, %swap3A_326] {strides = array<i32>} : memref<128x128xf32, #tpu.memory_space<vmem>>, vector<1x16xf32>,
        %swap3A_328 = vector.shape_cast %swap3A_327 : vector<1x16xf32> to vector<16xf32>
        %swap3A_329 = vector.shape_cast %mul3A_322 : vector<16xf32> to vector<1x16xf32>
        tpu.vector_store %arg15[%swap3A_325, %swap3A_326], %swap3A_329 {strides = array<i32>} : memref<128x128xf32, #tpu.memory_space<vmem>>, vector<1x16xf32>,
        %mul3A_330 = arith.mulf %get3A_260, %gather3A_307 : vector<16xf32>
        %add3A_331 = arith.constant 48 : i32
        %add3A_332 = arith.addi %mul3A_278, %add3A_331 : i32
        %swap3A_333 = arith.index_cast %add3A_201 : i32 to index
        %swap3A_334 = arith.index_cast %add3A_332 : i32 to index
        %swap3A_335 = tpu.vector_load %arg15[%swap3A_333, %swap3A_334] {strides = array<i32>} : memref<128x128xf32, #tpu.memory_space<vmem>>, vector<1x16xf32>,
        %swap3A_336 = vector.shape_cast %swap3A_335 : vector<1x16xf32> to vector<16xf32>
        %swap3A_337 = vector.shape_cast %mul3A_330 : vector<16xf32> to vector<1x16xf32>
        tpu.vector_store %arg15[%swap3A_333, %swap3A_334], %swap3A_337 {strides = array<i32>} : memref<128x128xf32, #tpu.memory_space<vmem>>, vector<1x16xf32>,
        %sub3A = arith.constant 64 : i32
        %sub3A_338 = arith.subi %sub3A, %mul3A_278 : i32
        %add3A_339 = arith.constant 0 : i32
        %add3A_340 = arith.addi %sub3A_338, %add3A_339 : i32
        %swap3A_341 = arith.index_cast %add3A_201 : i32 to index
        %swap3A_342 = arith.index_cast %add3A_340 : i32 to index
        %swap3A_343 = tpu.vector_load %arg15[%swap3A_341, %swap3A_342] {strides = array<i32>} : memref<128x128xf32, #tpu.memory_space<vmem>>, vector<1x16xf32>,
        %swap3A_344 = vector.shape_cast %swap3A_343 : vector<1x16xf32> to vector<16xf32>
        %swap3A_345 = vector.shape_cast %broadcast_in_dim3A_1 : vector<16xf32> to vector<1x16xf32>
        tpu.vector_store %arg15[%swap3A_341, %swap3A_342], %swap3A_345 {strides = array<i32>} : memref<128x128xf32, #tpu.memory_space<vmem>>, vector<1x16xf32>,
        %add3A_346 = arith.constant 16 : i32
        %add3A_347 = arith.addi %sub3A_338, %add3A_346 : i32
        %swap3A_348 = arith.index_cast %add3A_201 : i32 to index
        %swap3A_349 = arith.index_cast %add3A_347 : i32 to index
        %swap3A_350 = tpu.vector_load %arg15[%swap3A_348, %swap3A_349] {strides = array<i32>} : memref<128x128xf32, #tpu.memory_space<vmem>>, vector<1x16xf32>,
        %swap3A_351 = vector.shape_cast %swap3A_350 : vector<1x16xf32> to vector<16xf32>
        %swap3A_352 = vector.shape_cast %broadcast_in_dim3A_1 : vector<16xf32> to vector<1x16xf32>
        tpu.vector_store %arg15[%swap3A_348, %swap3A_349], %swap3A_352 {strides = array<i32>} : memref<128x128xf32, #tpu.memory_space<vmem>>, vector<1x16xf32>,
        %add3A_353 = arith.constant 32 : i32
        %add3A_354 = arith.addi %sub3A_338, %add3A_353 : i32
        %swap3A_355 = arith.index_cast %add3A_201 : i32 to index
        %swap3A_356 = arith.index_cast %add3A_354 : i32 to index
        %swap3A_357 = tpu.vector_load %arg15[%swap3A_355, %swap3A_356] {strides = array<i32>} : memref<128x128xf32, #tpu.memory_space<vmem>>, vector<1x16xf32>,
        %swap3A_358 = vector.shape_cast %swap3A_357 : vector<1x16xf32> to vector<16xf32>
        %swap3A_359 = vector.shape_cast %broadcast_in_dim3A_1 : vector<16xf32> to vector<1x16xf32>
        tpu.vector_store %arg15[%swap3A_355, %swap3A_356], %swap3A_359 {strides = array<i32>} : memref<128x128xf32, #tpu.memory_space<vmem>>, vector<1x16xf32>,
        %add3A_360 = arith.constant 48 : i32
        %add3A_361 = arith.addi %sub3A_338, %add3A_360 : i32
        %swap3A_362 = arith.index_cast %add3A_201 : i32 to index
        %swap3A_363 = arith.index_cast %add3A_361 : i32 to index
        %swap3A_364 = tpu.vector_load %arg15[%swap3A_362, %swap3A_363] {strides = array<i32>} : memref<128x128xf32, #tpu.memory_space<vmem>>, vector<1x16xf32>,
        %swap3A_365 = vector.shape_cast %swap3A_364 : vector<1x16xf32> to vector<16xf32>
        %swap3A_366 = vector.shape_cast %broadcast_in_dim3A_1 : vector<16xf32> to vector<1x16xf32>
        tpu.vector_store %arg15[%swap3A_362, %swap3A_363], %swap3A_366 {strides = array<i32>} : memref<128x128xf32, #tpu.memory_space<vmem>>, vector<1x16xf32>,
        %lt3A_367 = arith.constant 1 : i32
        %lt3A_368 = vector.broadcast %lt3A_367 : i32 to vector<16xi32>
        %lt3A_369 = arith.cmpi slt, %iota3A, %lt3A_368 : vector<16xi32>
        %select_n3A_370 = arith.select %lt3A_369, %exp3A, %broadcast_in_dim3A_1 : vector<16xi1>, vector<16xf32>
        %lt3A_371 = arith.constant 1 : i32
        %lt3A_372 = vector.broadcast %lt3A_371 : i32 to vector<16xi32>
        %lt3A_373 = arith.cmpi slt, %iota3A, %lt3A_372 : vector<16xi32>
        %select_n3A_374 = arith.select %lt3A_373, %gather3A_307, %broadcast_in_dim3A_1 : vector<16xi1>, vector<16xf32>
        %get3A_375 = arith.index_cast %squeeze3A : i32 to index
        %get3A_376 = tpu.vector_load %arg17[%get3A_375] {strides = array<i32>} : memref<20048xf32, #tpu.memory_space<vmem>>, vector<16xf32>,
        %get3A_377 = vector.shape_cast %get3A_376 : vector<16xf32> to vector<16xf32>
        %add3A_378 = arith.addf %get3A_377, %select_n3A_370 : vector<16xf32>
        %swap3A_379 = arith.index_cast %squeeze3A : i32 to index
        %swap3A_380 = tpu.vector_load %arg17[%swap3A_379] {strides = array<i32>} : memref<20048xf32, #tpu.memory_space<vmem>>, vector<16xf32>,
        %swap3A_381 = vector.shape_cast %swap3A_380 : vector<16xf32> to vector<16xf32>
        %swap3A_382 = vector.shape_cast %add3A_378 : vector<16xf32> to vector<16xf32>
        tpu.vector_store %arg17[%swap3A_379], %swap3A_382 {strides = array<i32>} : memref<20048xf32, #tpu.memory_space<vmem>>, vector<16xf32>,
        %add3A_383 = arith.constant 10016 : i32
        %add3A_384 = arith.addi %add3A_383, %squeeze3A : i32
        %get3A_385 = arith.index_cast %add3A_384 : i32 to index
        %get3A_386 = tpu.vector_load %arg17[%get3A_385] {strides = array<i32>} : memref<20048xf32, #tpu.memory_space<vmem>>, vector<16xf32>,
        %get3A_387 = vector.shape_cast %get3A_386 : vector<16xf32> to vector<16xf32>
        %add3A_388 = arith.addf %get3A_387, %select_n3A_374 : vector<16xf32>
        %add3A_389 = arith.constant 10016 : i32
        %add3A_390 = arith.addi %add3A_389, %squeeze3A : i32
        %swap3A_391 = arith.index_cast %add3A_390 : i32 to index
        %swap3A_392 = tpu.vector_load %arg17[%swap3A_391] {strides = array<i32>} : memref<20048xf32, #tpu.memory_space<vmem>>, vector<16xf32>,
        %swap3A_393 = vector.shape_cast %swap3A_392 : vector<16xf32> to vector<16xf32>
        %swap3A_394 = vector.shape_cast %add3A_388 : vector<16xf32> to vector<16xf32>
        tpu.vector_store %arg17[%swap3A_391], %swap3A_394 {strides = array<i32>} : memref<20048xf32, #tpu.memory_space<vmem>>, vector<16xf32>,
        %mul3A_395 = arith.constant 4 : i32
        %mul3A_396 = arith.muli %scan3A_196, %mul3A_395 : i32
        %add3A_397 = arith.constant 1 : i32
        %add3A_398 = arith.addi %mul3A_396, %add3A_397 : i32
        %add3A_399 = arith.constant 0 : i32
        %add3A_400 = arith.addi %mul3A_187, %add3A_399 : i32
        %get3A_401 = arith.index_cast %add3A_398 : i32 to index
        %get3A_402 = arith.index_cast %add3A_400 : i32 to index
        %get3A_403 = tpu.vector_load %arg13[%get3A_401, %get3A_402] {strides = array<i32>} : memref<128x128xf32, #tpu.memory_space<vmem>>, vector<1x16xf32>,
        %get3A_404 = vector.shape_cast %get3A_403 : vector<1x16xf32> to vector<16xf32>
        %add3A_405 = arith.constant 0 : i32
        %add3A_406 = arith.addi %mul3A_187, %add3A_405 : i32
        %get3A_407 = arith.index_cast %add3A_398 : i32 to index
        %get3A_408 = arith.index_cast %add3A_406 : i32 to index
        %get3A_409 = tpu.vector_load %arg14[%get3A_407, %get3A_408] {strides = array<i32>} : memref<128x128xf32, #tpu.memory_space<vmem>>, vector<1x16xf32>,
        %get3A_410 = vector.shape_cast %get3A_409 : vector<1x16xf32> to vector<16xf32>
        %add3A_411 = arith.addf %get3A_404, %get3A_410 : vector<16xf32>
        %mul3A_412 = arith.constant 2.000000e-01 : f32
        %mul3A_413 = vector.broadcast %mul3A_412 : f32 to vector<16xf32>
        %mul3A_414 = arith.mulf %mul3A_413, %add3A_411 : vector<16xf32>
        %max3A_415 = arith.maximumf %add3A_411, %mul3A_414 : vector<16xf32>
        %mul3A_416 = arith.mulf %max3A_415, %get3A_28 : vector<16xf32>
        %add3A_417 = arith.constant 16 : i32
        %add3A_418 = arith.addi %mul3A_187, %add3A_417 : i32
        %get3A_419 = arith.index_cast %add3A_398 : i32 to index
        %get3A_420 = arith.index_cast %add3A_418 : i32 to index
        %get3A_421 = tpu.vector_load %arg13[%get3A_419, %get3A_420] {strides = array<i32>} : memref<128x128xf32, #tpu.memory_space<vmem>>, vector<1x16xf32>,
        %get3A_422 = vector.shape_cast %get3A_421 : vector<1x16xf32> to vector<16xf32>
        %add3A_423 = arith.constant 16 : i32
        %add3A_424 = arith.addi %mul3A_187, %add3A_423 : i32
        %get3A_425 = arith.index_cast %add3A_398 : i32 to index
        %get3A_426 = arith.index_cast %add3A_424 : i32 to index
        %get3A_427 = tpu.vector_load %arg14[%get3A_425, %get3A_426] {strides = array<i32>} : memref<128x128xf32, #tpu.memory_space<vmem>>, vector<1x16xf32>,
        %get3A_428 = vector.shape_cast %get3A_427 : vector<1x16xf32> to vector<16xf32>
        %add3A_429 = arith.addf %get3A_422, %get3A_428 : vector<16xf32>
        %mul3A_430 = arith.constant 2.000000e-01 : f32
        %mul3A_431 = vector.broadcast %mul3A_430 : f32 to vector<16xf32>
        %mul3A_432 = arith.mulf %mul3A_431, %add3A_429 : vector<16xf32>
        %max3A_433 = arith.maximumf %add3A_429, %mul3A_432 : vector<16xf32>
        %mul3A_434 = arith.mulf %max3A_433, %get3A_35 : vector<16xf32>
        %add3A_435 = arith.constant 32 : i32
        %add3A_436 = arith.addi %mul3A_187, %add3A_435 : i32
        %get3A_437 = arith.index_cast %add3A_398 : i32 to index
        %get3A_438 = arith.index_cast %add3A_436 : i32 to index
        %get3A_439 = tpu.vector_load %arg13[%get3A_437, %get3A_438] {strides = array<i32>} : memref<128x128xf32, #tpu.memory_space<vmem>>, vector<1x16xf32>,
        %get3A_440 = vector.shape_cast %get3A_439 : vector<1x16xf32> to vector<16xf32>
        %add3A_441 = arith.constant 32 : i32
        %add3A_442 = arith.addi %mul3A_187, %add3A_441 : i32
        %get3A_443 = arith.index_cast %add3A_398 : i32 to index
        %get3A_444 = arith.index_cast %add3A_442 : i32 to index
        %get3A_445 = tpu.vector_load %arg14[%get3A_443, %get3A_444] {strides = array<i32>} : memref<128x128xf32, #tpu.memory_space<vmem>>, vector<1x16xf32>,
        %get3A_446 = vector.shape_cast %get3A_445 : vector<1x16xf32> to vector<16xf32>
        %add3A_447 = arith.addf %get3A_440, %get3A_446 : vector<16xf32>
        %mul3A_448 = arith.constant 2.000000e-01 : f32
        %mul3A_449 = vector.broadcast %mul3A_448 : f32 to vector<16xf32>
        %mul3A_450 = arith.mulf %mul3A_449, %add3A_447 : vector<16xf32>
        %max3A_451 = arith.maximumf %add3A_447, %mul3A_450 : vector<16xf32>
        %mul3A_452 = arith.mulf %max3A_451, %get3A_42 : vector<16xf32>
        %add3A_453 = arith.constant 48 : i32
        %add3A_454 = arith.addi %mul3A_187, %add3A_453 : i32
        %get3A_455 = arith.index_cast %add3A_398 : i32 to index
        %get3A_456 = arith.index_cast %add3A_454 : i32 to index
        %get3A_457 = tpu.vector_load %arg13[%get3A_455, %get3A_456] {strides = array<i32>} : memref<128x128xf32, #tpu.memory_space<vmem>>, vector<1x16xf32>,
        %get3A_458 = vector.shape_cast %get3A_457 : vector<1x16xf32> to vector<16xf32>
        %add3A_459 = arith.constant 48 : i32
        %add3A_460 = arith.addi %mul3A_187, %add3A_459 : i32
        %get3A_461 = arith.index_cast %add3A_398 : i32 to index
        %get3A_462 = arith.index_cast %add3A_460 : i32 to index
        %get3A_463 = tpu.vector_load %arg14[%get3A_461, %get3A_462] {strides = array<i32>} : memref<128x128xf32, #tpu.memory_space<vmem>>, vector<1x16xf32>,
        %get3A_464 = vector.shape_cast %get3A_463 : vector<1x16xf32> to vector<16xf32>
        %add3A_465 = arith.addf %get3A_458, %get3A_464 : vector<16xf32>
        %mul3A_466 = arith.constant 2.000000e-01 : f32
        %mul3A_467 = vector.broadcast %mul3A_466 : f32 to vector<16xf32>
        %mul3A_468 = arith.mulf %mul3A_467, %add3A_465 : vector<16xf32>
        %max3A_469 = arith.maximumf %add3A_465, %mul3A_468 : vector<16xf32>
        %mul3A_470 = arith.mulf %max3A_469, %get3A_49 : vector<16xf32>
        %get3A_471 = arith.index_cast %add3A_398 : i32 to index
        %get3A_472 = tpu.vector_load %arg11[%get3A_471] {strides = array<i32>} : memref<144xi32, #tpu.memory_space<vmem>>, vector<16xi32>,
        %get3A_473 = vector.shape_cast %get3A_472 : vector<16xi32> to vector<16xi32>
        %slice3A_474 = vector.extract_strided_slice %get3A_473 {offsets = [0], sizes = [1], strides = [1]} : vector<16xi32> to vector<1xi32>
        %squeeze3A_475 = vector.extract %slice3A_474[0] : i32 from vector<1xi32>
        %and3A_476 = arith.constant 1 : i32
        %and3A_477 = arith.andi %squeeze3A_475, %and3A_476 : i32
        %mul3A_478 = arith.constant 64 : i32
        %mul3A_479 = arith.muli %and3A_477, %mul3A_478 : i32
        %add3A_480 = arith.addf %mul3A_416, %mul3A_434 : vector<16xf32>
        %add3A_481 = arith.addf %mul3A_452, %mul3A_470 : vector<16xf32>
        %broadcast_in_dim3A_482 = vector.shape_cast %xor3A_51 : vector<16xi32> to vector<16x1xi32>
        %gather3A_483 = vector.shape_cast %broadcast_in_dim3A_482 : vector<16x1xi32> to vector<16xi32>
        %gather3A_484 = tpu.dynamic_gather %add3A_480[%gather3A_483] in [0] : vector<16xf32>, vector<16xi32> -> vector<16xf32>
        %add3A_485 = arith.addf %add3A_480, %gather3A_484 : vector<16xf32>
        %broadcast_in_dim3A_486 = vector.shape_cast %xor3A_51 : vector<16xi32> to vector<16x1xi32>
        %gather3A_487 = vector.shape_cast %broadcast_in_dim3A_486 : vector<16x1xi32> to vector<16xi32>
        %gather3A_488 = tpu.dynamic_gather %add3A_481[%gather3A_487] in [0] : vector<16xf32>, vector<16xi32> -> vector<16xf32>
        %add3A_489 = arith.addf %add3A_481, %gather3A_488 : vector<16xf32>
        %lt3A_490 = arith.constant 8 : i32
        %lt3A_491 = vector.broadcast %lt3A_490 : i32 to vector<16xi32>
        %lt3A_492 = arith.cmpi slt, %iota3A, %lt3A_491 : vector<16xi32>
        %select_n3A_493 = arith.select %lt3A_492, %add3A_485, %add3A_489 : vector<16xi1>, vector<16xf32>
        %broadcast_in_dim3A_494 = vector.shape_cast %xor3A_54 : vector<16xi32> to vector<16x1xi32>
        %gather3A_495 = vector.shape_cast %broadcast_in_dim3A_494 : vector<16x1xi32> to vector<16xi32>
        %gather3A_496 = tpu.dynamic_gather %select_n3A_493[%gather3A_495] in [0] : vector<16xf32>, vector<16xi32> -> vector<16xf32>
        %add3A_497 = arith.addf %select_n3A_493, %gather3A_496 : vector<16xf32>
        %broadcast_in_dim3A_498 = vector.shape_cast %xor3A_57 : vector<16xi32> to vector<16x1xi32>
        %gather3A_499 = vector.shape_cast %broadcast_in_dim3A_498 : vector<16x1xi32> to vector<16xi32>
        %gather3A_500 = tpu.dynamic_gather %add3A_497[%gather3A_499] in [0] : vector<16xf32>, vector<16xi32> -> vector<16xf32>
        %add3A_501 = arith.addf %add3A_497, %gather3A_500 : vector<16xf32>
        %broadcast_in_dim3A_502 = vector.shape_cast %xor3A_60 : vector<16xi32> to vector<16x1xi32>
        %gather3A_503 = vector.shape_cast %broadcast_in_dim3A_502 : vector<16x1xi32> to vector<16xi32>
        %gather3A_504 = tpu.dynamic_gather %add3A_501[%gather3A_503] in [0] : vector<16xf32>, vector<16xi32> -> vector<16xf32>
        %add3A_505 = arith.addf %add3A_501, %gather3A_504 : vector<16xf32>
        %exp3A_506 = math.exp %add3A_505 : vector<16xf32>
        %broadcast_in_dim3A_507 = vector.shape_cast %broadcast_in_dim3A_62 : vector<16xi32> to vector<16x1xi32>
        %gather3A_508 = vector.shape_cast %broadcast_in_dim3A_507 : vector<16x1xi32> to vector<16xi32>
        %gather3A_509 = tpu.dynamic_gather %exp3A_506[%gather3A_508] in [0] : vector<16xf32>, vector<16xi32> -> vector<16xf32>
        %broadcast_in_dim3A_510 = vector.shape_cast %add3A_65 : vector<16xi32> to vector<16x1xi32>
        %gather3A_511 = vector.shape_cast %broadcast_in_dim3A_510 : vector<16x1xi32> to vector<16xi32>
        %gather3A_512 = tpu.dynamic_gather %exp3A_506[%gather3A_511] in [0] : vector<16xf32>, vector<16xi32> -> vector<16xf32>
        %mul3A_513 = arith.mulf %get3A_404, %gather3A_509 : vector<16xf32>
        %swap3A_514 = arith.index_cast %add3A_398 : i32 to index
        %swap3A_515 = arith.index_cast %mul3A_479 : i32 to index
        %swap3A_516 = tpu.vector_load %arg15[%swap3A_514, %swap3A_515] {strides = array<i32>} : memref<128x128xf32, #tpu.memory_space<vmem>>, vector<1x16xf32>,
        %swap3A_517 = vector.shape_cast %swap3A_516 : vector<1x16xf32> to vector<16xf32>
        %swap3A_518 = vector.shape_cast %mul3A_513 : vector<16xf32> to vector<1x16xf32>
        tpu.vector_store %arg15[%swap3A_514, %swap3A_515], %swap3A_518 {strides = array<i32>} : memref<128x128xf32, #tpu.memory_space<vmem>>, vector<1x16xf32>,
        %mul3A_519 = arith.mulf %get3A_422, %gather3A_509 : vector<16xf32>
        %add3A_520 = arith.constant 16 : i32
        %add3A_521 = arith.addi %mul3A_479, %add3A_520 : i32
        %swap3A_522 = arith.index_cast %add3A_398 : i32 to index
        %swap3A_523 = arith.index_cast %add3A_521 : i32 to index
        %swap3A_524 = tpu.vector_load %arg15[%swap3A_522, %swap3A_523] {strides = array<i32>} : memref<128x128xf32, #tpu.memory_space<vmem>>, vector<1x16xf32>,
        %swap3A_525 = vector.shape_cast %swap3A_524 : vector<1x16xf32> to vector<16xf32>
        %swap3A_526 = vector.shape_cast %mul3A_519 : vector<16xf32> to vector<1x16xf32>
        tpu.vector_store %arg15[%swap3A_522, %swap3A_523], %swap3A_526 {strides = array<i32>} : memref<128x128xf32, #tpu.memory_space<vmem>>, vector<1x16xf32>,
        %mul3A_527 = arith.mulf %get3A_440, %gather3A_512 : vector<16xf32>
        %add3A_528 = arith.constant 32 : i32
        %add3A_529 = arith.addi %mul3A_479, %add3A_528 : i32
        %swap3A_530 = arith.index_cast %add3A_398 : i32 to index
        %swap3A_531 = arith.index_cast %add3A_529 : i32 to index
        %swap3A_532 = tpu.vector_load %arg15[%swap3A_530, %swap3A_531] {strides = array<i32>} : memref<128x128xf32, #tpu.memory_space<vmem>>, vector<1x16xf32>,
        %swap3A_533 = vector.shape_cast %swap3A_532 : vector<1x16xf32> to vector<16xf32>
        %swap3A_534 = vector.shape_cast %mul3A_527 : vector<16xf32> to vector<1x16xf32>
        tpu.vector_store %arg15[%swap3A_530, %swap3A_531], %swap3A_534 {strides = array<i32>} : memref<128x128xf32, #tpu.memory_space<vmem>>, vector<1x16xf32>,
        %mul3A_535 = arith.mulf %get3A_458, %gather3A_512 : vector<16xf32>
        %add3A_536 = arith.constant 48 : i32
        %add3A_537 = arith.addi %mul3A_479, %add3A_536 : i32
        %swap3A_538 = arith.index_cast %add3A_398 : i32 to index
        %swap3A_539 = arith.index_cast %add3A_537 : i32 to index
        %swap3A_540 = tpu.vector_load %arg15[%swap3A_538, %swap3A_539] {strides = array<i32>} : memref<128x128xf32, #tpu.memory_space<vmem>>, vector<1x16xf32>,
        %swap3A_541 = vector.shape_cast %swap3A_540 : vector<1x16xf32> to vector<16xf32>
        %swap3A_542 = vector.shape_cast %mul3A_535 : vector<16xf32> to vector<1x16xf32>
        tpu.vector_store %arg15[%swap3A_538, %swap3A_539], %swap3A_542 {strides = array<i32>} : memref<128x128xf32, #tpu.memory_space<vmem>>, vector<1x16xf32>,
        %sub3A_543 = arith.constant 64 : i32
        %sub3A_544 = arith.subi %sub3A_543, %mul3A_479 : i32
        %add3A_545 = arith.constant 0 : i32
        %add3A_546 = arith.addi %sub3A_544, %add3A_545 : i32
        %swap3A_547 = arith.index_cast %add3A_398 : i32 to index
        %swap3A_548 = arith.index_cast %add3A_546 : i32 to index
        %swap3A_549 = tpu.vector_load %arg15[%swap3A_547, %swap3A_548] {strides = array<i32>} : memref<128x128xf32, #tpu.memory_space<vmem>>, vector<1x16xf32>,
        %swap3A_550 = vector.shape_cast %swap3A_549 : vector<1x16xf32> to vector<16xf32>
        %swap3A_551 = vector.shape_cast %broadcast_in_dim3A_1 : vector<16xf32> to vector<1x16xf32>
        tpu.vector_store %arg15[%swap3A_547, %swap3A_548], %swap3A_551 {strides = array<i32>} : memref<128x128xf32, #tpu.memory_space<vmem>>, vector<1x16xf32>,
        %add3A_552 = arith.constant 16 : i32
        %add3A_553 = arith.addi %sub3A_544, %add3A_552 : i32
        %swap3A_554 = arith.index_cast %add3A_398 : i32 to index
        %swap3A_555 = arith.index_cast %add3A_553 : i32 to index
        %swap3A_556 = tpu.vector_load %arg15[%swap3A_554, %swap3A_555] {strides = array<i32>} : memref<128x128xf32, #tpu.memory_space<vmem>>, vector<1x16xf32>,
        %swap3A_557 = vector.shape_cast %swap3A_556 : vector<1x16xf32> to vector<16xf32>
        %swap3A_558 = vector.shape_cast %broadcast_in_dim3A_1 : vector<16xf32> to vector<1x16xf32>
        tpu.vector_store %arg15[%swap3A_554, %swap3A_555], %swap3A_558 {strides = array<i32>} : memref<128x128xf32, #tpu.memory_space<vmem>>, vector<1x16xf32>,
        %add3A_559 = arith.constant 32 : i32
        %add3A_560 = arith.addi %sub3A_544, %add3A_559 : i32
        %swap3A_561 = arith.index_cast %add3A_398 : i32 to index
        %swap3A_562 = arith.index_cast %add3A_560 : i32 to index
        %swap3A_563 = tpu.vector_load %arg15[%swap3A_561, %swap3A_562] {strides = array<i32>} : memref<128x128xf32, #tpu.memory_space<vmem>>, vector<1x16xf32>,
        %swap3A_564 = vector.shape_cast %swap3A_563 : vector<1x16xf32> to vector<16xf32>
        %swap3A_565 = vector.shape_cast %broadcast_in_dim3A_1 : vector<16xf32> to vector<1x16xf32>
        tpu.vector_store %arg15[%swap3A_561, %swap3A_562], %swap3A_565 {strides = array<i32>} : memref<128x128xf32, #tpu.memory_space<vmem>>, vector<1x16xf32>,
        %add3A_566 = arith.constant 48 : i32
        %add3A_567 = arith.addi %sub3A_544, %add3A_566 : i32
        %swap3A_568 = arith.index_cast %add3A_398 : i32 to index
        %swap3A_569 = arith.index_cast %add3A_567 : i32 to index
        %swap3A_570 = tpu.vector_load %arg15[%swap3A_568, %swap3A_569] {strides = array<i32>} : memref<128x128xf32, #tpu.memory_space<vmem>>, vector<1x16xf32>,
        %swap3A_571 = vector.shape_cast %swap3A_570 : vector<1x16xf32> to vector<16xf32>
        %swap3A_572 = vector.shape_cast %broadcast_in_dim3A_1 : vector<16xf32> to vector<1x16xf32>
        tpu.vector_store %arg15[%swap3A_568, %swap3A_569], %swap3A_572 {strides = array<i32>} : memref<128x128xf32, #tpu.memory_space<vmem>>, vector<1x16xf32>,
        %lt3A_573 = arith.constant 1 : i32
        %lt3A_574 = vector.broadcast %lt3A_573 : i32 to vector<16xi32>
        %lt3A_575 = arith.cmpi slt, %iota3A, %lt3A_574 : vector<16xi32>
        %select_n3A_576 = arith.select %lt3A_575, %exp3A_506, %broadcast_in_dim3A_1 : vector<16xi1>, vector<16xf32>
        %lt3A_577 = arith.constant 1 : i32
        %lt3A_578 = vector.broadcast %lt3A_577 : i32 to vector<16xi32>
        %lt3A_579 = arith.cmpi slt, %iota3A, %lt3A_578 : vector<16xi32>
        %select_n3A_580 = arith.select %lt3A_579, %gather3A_512, %broadcast_in_dim3A_1 : vector<16xi1>, vector<16xf32>
        %get3A_581 = arith.index_cast %squeeze3A_475 : i32 to index
        %get3A_582 = tpu.vector_load %arg17[%get3A_581] {strides = array<i32>} : memref<20048xf32, #tpu.memory_space<vmem>>, vector<16xf32>,
        %get3A_583 = vector.shape_cast %get3A_582 : vector<16xf32> to vector<16xf32>
        %add3A_584 = arith.addf %get3A_583, %select_n3A_576 : vector<16xf32>
        %swap3A_585 = arith.index_cast %squeeze3A_475 : i32 to index
        %swap3A_586 = tpu.vector_load %arg17[%swap3A_585] {strides = array<i32>} : memref<20048xf32, #tpu.memory_space<vmem>>, vector<16xf32>,
        %swap3A_587 = vector.shape_cast %swap3A_586 : vector<16xf32> to vector<16xf32>
        %swap3A_588 = vector.shape_cast %add3A_584 : vector<16xf32> to vector<16xf32>
        tpu.vector_store %arg17[%swap3A_585], %swap3A_588 {strides = array<i32>} : memref<20048xf32, #tpu.memory_space<vmem>>, vector<16xf32>,
        %add3A_589 = arith.constant 10016 : i32
        %add3A_590 = arith.addi %add3A_589, %squeeze3A_475 : i32
        %get3A_591 = arith.index_cast %add3A_590 : i32 to index
        %get3A_592 = tpu.vector_load %arg17[%get3A_591] {strides = array<i32>} : memref<20048xf32, #tpu.memory_space<vmem>>, vector<16xf32>,
        %get3A_593 = vector.shape_cast %get3A_592 : vector<16xf32> to vector<16xf32>
        %add3A_594 = arith.addf %get3A_593, %select_n3A_580 : vector<16xf32>
        %add3A_595 = arith.constant 10016 : i32
        %add3A_596 = arith.addi %add3A_595, %squeeze3A_475 : i32
        %swap3A_597 = arith.index_cast %add3A_596 : i32 to index
        %swap3A_598 = tpu.vector_load %arg17[%swap3A_597] {strides = array<i32>} : memref<20048xf32, #tpu.memory_space<vmem>>, vector<16xf32>,
        %swap3A_599 = vector.shape_cast %swap3A_598 : vector<16xf32> to vector<16xf32>
        %swap3A_600 = vector.shape_cast %add3A_594 : vector<16xf32> to vector<16xf32>
        tpu.vector_store %arg17[%swap3A_597], %swap3A_600 {strides = array<i32>} : memref<20048xf32, #tpu.memory_space<vmem>>, vector<16xf32>,
        %mul3A_601 = arith.constant 4 : i32
        %mul3A_602 = arith.muli %scan3A_196, %mul3A_601 : i32
        %add3A_603 = arith.constant 2 : i32
        %add3A_604 = arith.addi %mul3A_602, %add3A_603 : i32
        %add3A_605 = arith.constant 0 : i32
        %add3A_606 = arith.addi %mul3A_187, %add3A_605 : i32
        %get3A_607 = arith.index_cast %add3A_604 : i32 to index
        %get3A_608 = arith.index_cast %add3A_606 : i32 to index
        %get3A_609 = tpu.vector_load %arg13[%get3A_607, %get3A_608] {strides = array<i32>} : memref<128x128xf32, #tpu.memory_space<vmem>>, vector<1x16xf32>,
        %get3A_610 = vector.shape_cast %get3A_609 : vector<1x16xf32> to vector<16xf32>
        %add3A_611 = arith.constant 0 : i32
        %add3A_612 = arith.addi %mul3A_187, %add3A_611 : i32
        %get3A_613 = arith.index_cast %add3A_604 : i32 to index
        %get3A_614 = arith.index_cast %add3A_612 : i32 to index
        %get3A_615 = tpu.vector_load %arg14[%get3A_613, %get3A_614] {strides = array<i32>} : memref<128x128xf32, #tpu.memory_space<vmem>>, vector<1x16xf32>,
        %get3A_616 = vector.shape_cast %get3A_615 : vector<1x16xf32> to vector<16xf32>
        %add3A_617 = arith.addf %get3A_610, %get3A_616 : vector<16xf32>
        %mul3A_618 = arith.constant 2.000000e-01 : f32
        %mul3A_619 = vector.broadcast %mul3A_618 : f32 to vector<16xf32>
        %mul3A_620 = arith.mulf %mul3A_619, %add3A_617 : vector<16xf32>
        %max3A_621 = arith.maximumf %add3A_617, %mul3A_620 : vector<16xf32>
        %mul3A_622 = arith.mulf %max3A_621, %get3A_28 : vector<16xf32>
        %add3A_623 = arith.constant 16 : i32
        %add3A_624 = arith.addi %mul3A_187, %add3A_623 : i32
        %get3A_625 = arith.index_cast %add3A_604 : i32 to index
        %get3A_626 = arith.index_cast %add3A_624 : i32 to index
        %get3A_627 = tpu.vector_load %arg13[%get3A_625, %get3A_626] {strides = array<i32>} : memref<128x128xf32, #tpu.memory_space<vmem>>, vector<1x16xf32>,
        %get3A_628 = vector.shape_cast %get3A_627 : vector<1x16xf32> to vector<16xf32>
        %add3A_629 = arith.constant 16 : i32
        %add3A_630 = arith.addi %mul3A_187, %add3A_629 : i32
        %get3A_631 = arith.index_cast %add3A_604 : i32 to index
        %get3A_632 = arith.index_cast %add3A_630 : i32 to index
        %get3A_633 = tpu.vector_load %arg14[%get3A_631, %get3A_632] {strides = array<i32>} : memref<128x128xf32, #tpu.memory_space<vmem>>, vector<1x16xf32>,
        %get3A_634 = vector.shape_cast %get3A_633 : vector<1x16xf32> to vector<16xf32>
        %add3A_635 = arith.addf %get3A_628, %get3A_634 : vector<16xf32>
        %mul3A_636 = arith.constant 2.000000e-01 : f32
        %mul3A_637 = vector.broadcast %mul3A_636 : f32 to vector<16xf32>
        %mul3A_638 = arith.mulf %mul3A_637, %add3A_635 : vector<16xf32>
        %max3A_639 = arith.maximumf %add3A_635, %mul3A_638 : vector<16xf32>
        %mul3A_640 = arith.mulf %max3A_639, %get3A_35 : vector<16xf32>
        %add3A_641 = arith.constant 32 : i32
        %add3A_642 = arith.addi %mul3A_187, %add3A_641 : i32
        %get3A_643 = arith.index_cast %add3A_604 : i32 to index
        %get3A_644 = arith.index_cast %add3A_642 : i32 to index
        %get3A_645 = tpu.vector_load %arg13[%get3A_643, %get3A_644] {strides = array<i32>} : memref<128x128xf32, #tpu.memory_space<vmem>>, vector<1x16xf32>,
        %get3A_646 = vector.shape_cast %get3A_645 : vector<1x16xf32> to vector<16xf32>
        %add3A_647 = arith.constant 32 : i32
        %add3A_648 = arith.addi %mul3A_187, %add3A_647 : i32
        %get3A_649 = arith.index_cast %add3A_604 : i32 to index
        %get3A_650 = arith.index_cast %add3A_648 : i32 to index
        %get3A_651 = tpu.vector_load %arg14[%get3A_649, %get3A_650] {strides = array<i32>} : memref<128x128xf32, #tpu.memory_space<vmem>>, vector<1x16xf32>,
        %get3A_652 = vector.shape_cast %get3A_651 : vector<1x16xf32> to vector<16xf32>
        %add3A_653 = arith.addf %get3A_646, %get3A_652 : vector<16xf32>
        %mul3A_654 = arith.constant 2.000000e-01 : f32
        %mul3A_655 = vector.broadcast %mul3A_654 : f32 to vector<16xf32>
        %mul3A_656 = arith.mulf %mul3A_655, %add3A_653 : vector<16xf32>
        %max3A_657 = arith.maximumf %add3A_653, %mul3A_656 : vector<16xf32>
        %mul3A_658 = arith.mulf %max3A_657, %get3A_42 : vector<16xf32>
        %add3A_659 = arith.constant 48 : i32
        %add3A_660 = arith.addi %mul3A_187, %add3A_659 : i32
        %get3A_661 = arith.index_cast %add3A_604 : i32 to index
        %get3A_662 = arith.index_cast %add3A_660 : i32 to index
        %get3A_663 = tpu.vector_load %arg13[%get3A_661, %get3A_662] {strides = array<i32>} : memref<128x128xf32, #tpu.memory_space<vmem>>, vector<1x16xf32>,
        %get3A_664 = vector.shape_cast %get3A_663 : vector<1x16xf32> to vector<16xf32>
        %add3A_665 = arith.constant 48 : i32
        %add3A_666 = arith.addi %mul3A_187, %add3A_665 : i32
        %get3A_667 = arith.index_cast %add3A_604 : i32 to index
        %get3A_668 = arith.index_cast %add3A_666 : i32 to index
        %get3A_669 = tpu.vector_load %arg14[%get3A_667, %get3A_668] {strides = array<i32>} : memref<128x128xf32, #tpu.memory_space<vmem>>, vector<1x16xf32>,
        %get3A_670 = vector.shape_cast %get3A_669 : vector<1x16xf32> to vector<16xf32>
        %add3A_671 = arith.addf %get3A_664, %get3A_670 : vector<16xf32>
        %mul3A_672 = arith.constant 2.000000e-01 : f32
        %mul3A_673 = vector.broadcast %mul3A_672 : f32 to vector<16xf32>
        %mul3A_674 = arith.mulf %mul3A_673, %add3A_671 : vector<16xf32>
        %max3A_675 = arith.maximumf %add3A_671, %mul3A_674 : vector<16xf32>
        %mul3A_676 = arith.mulf %max3A_675, %get3A_49 : vector<16xf32>
        %get3A_677 = arith.index_cast %add3A_604 : i32 to index
        %get3A_678 = tpu.vector_load %arg11[%get3A_677] {strides = array<i32>} : memref<144xi32, #tpu.memory_space<vmem>>, vector<16xi32>,
        %get3A_679 = vector.shape_cast %get3A_678 : vector<16xi32> to vector<16xi32>
        %slice3A_680 = vector.extract_strided_slice %get3A_679 {offsets = [0], sizes = [1], strides = [1]} : vector<16xi32> to vector<1xi32>
        %squeeze3A_681 = vector.extract %slice3A_680[0] : i32 from vector<1xi32>
        %and3A_682 = arith.constant 1 : i32
        %and3A_683 = arith.andi %squeeze3A_681, %and3A_682 : i32
        %mul3A_684 = arith.constant 64 : i32
        %mul3A_685 = arith.muli %and3A_683, %mul3A_684 : i32
        %add3A_686 = arith.addf %mul3A_622, %mul3A_640 : vector<16xf32>
        %add3A_687 = arith.addf %mul3A_658, %mul3A_676 : vector<16xf32>
        %broadcast_in_dim3A_688 = vector.shape_cast %xor3A_51 : vector<16xi32> to vector<16x1xi32>
        %gather3A_689 = vector.shape_cast %broadcast_in_dim3A_688 : vector<16x1xi32> to vector<16xi32>
        %gather3A_690 = tpu.dynamic_gather %add3A_686[%gather3A_689] in [0] : vector<16xf32>, vector<16xi32> -> vector<16xf32>
        %add3A_691 = arith.addf %add3A_686, %gather3A_690 : vector<16xf32>
        %broadcast_in_dim3A_692 = vector.shape_cast %xor3A_51 : vector<16xi32> to vector<16x1xi32>
        %gather3A_693 = vector.shape_cast %broadcast_in_dim3A_692 : vector<16x1xi32> to vector<16xi32>
        %gather3A_694 = tpu.dynamic_gather %add3A_687[%gather3A_693] in [0] : vector<16xf32>, vector<16xi32> -> vector<16xf32>
        %add3A_695 = arith.addf %add3A_687, %gather3A_694 : vector<16xf32>
        %lt3A_696 = arith.constant 8 : i32
        %lt3A_697 = vector.broadcast %lt3A_696 : i32 to vector<16xi32>
        %lt3A_698 = arith.cmpi slt, %iota3A, %lt3A_697 : vector<16xi32>
        %select_n3A_699 = arith.select %lt3A_698, %add3A_691, %add3A_695 : vector<16xi1>, vector<16xf32>
        %broadcast_in_dim3A_700 = vector.shape_cast %xor3A_54 : vector<16xi32> to vector<16x1xi32>
        %gather3A_701 = vector.shape_cast %broadcast_in_dim3A_700 : vector<16x1xi32> to vector<16xi32>
        %gather3A_702 = tpu.dynamic_gather %select_n3A_699[%gather3A_701] in [0] : vector<16xf32>, vector<16xi32> -> vector<16xf32>
        %add3A_703 = arith.addf %select_n3A_699, %gather3A_702 : vector<16xf32>
        %broadcast_in_dim3A_704 = vector.shape_cast %xor3A_57 : vector<16xi32> to vector<16x1xi32>
        %gather3A_705 = vector.shape_cast %broadcast_in_dim3A_704 : vector<16x1xi32> to vector<16xi32>
        %gather3A_706 = tpu.dynamic_gather %add3A_703[%gather3A_705] in [0] : vector<16xf32>, vector<16xi32> -> vector<16xf32>
        %add3A_707 = arith.addf %add3A_703, %gather3A_706 : vector<16xf32>
        %broadcast_in_dim3A_708 = vector.shape_cast %xor3A_60 : vector<16xi32> to vector<16x1xi32>
        %gather3A_709 = vector.shape_cast %broadcast_in_dim3A_708 : vector<16x1xi32> to vector<16xi32>
        %gather3A_710 = tpu.dynamic_gather %add3A_707[%gather3A_709] in [0] : vector<16xf32>, vector<16xi32> -> vector<16xf32>
        %add3A_711 = arith.addf %add3A_707, %gather3A_710 : vector<16xf32>
        %exp3A_712 = math.exp %add3A_711 : vector<16xf32>
        %broadcast_in_dim3A_713 = vector.shape_cast %broadcast_in_dim3A_62 : vector<16xi32> to vector<16x1xi32>
        %gather3A_714 = vector.shape_cast %broadcast_in_dim3A_713 : vector<16x1xi32> to vector<16xi32>
        %gather3A_715 = tpu.dynamic_gather %exp3A_712[%gather3A_714] in [0] : vector<16xf32>, vector<16xi32> -> vector<16xf32>
        %broadcast_in_dim3A_716 = vector.shape_cast %add3A_65 : vector<16xi32> to vector<16x1xi32>
        %gather3A_717 = vector.shape_cast %broadcast_in_dim3A_716 : vector<16x1xi32> to vector<16xi32>
        %gather3A_718 = tpu.dynamic_gather %exp3A_712[%gather3A_717] in [0] : vector<16xf32>, vector<16xi32> -> vector<16xf32>
        %mul3A_719 = arith.mulf %get3A_610, %gather3A_715 : vector<16xf32>
        %swap3A_720 = arith.index_cast %add3A_604 : i32 to index
        %swap3A_721 = arith.index_cast %mul3A_685 : i32 to index
        %swap3A_722 = tpu.vector_load %arg15[%swap3A_720, %swap3A_721] {strides = array<i32>} : memref<128x128xf32, #tpu.memory_space<vmem>>, vector<1x16xf32>,
        %swap3A_723 = vector.shape_cast %swap3A_722 : vector<1x16xf32> to vector<16xf32>
        %swap3A_724 = vector.shape_cast %mul3A_719 : vector<16xf32> to vector<1x16xf32>
        tpu.vector_store %arg15[%swap3A_720, %swap3A_721], %swap3A_724 {strides = array<i32>} : memref<128x128xf32, #tpu.memory_space<vmem>>, vector<1x16xf32>,
        %mul3A_725 = arith.mulf %get3A_628, %gather3A_715 : vector<16xf32>
        %add3A_726 = arith.constant 16 : i32
        %add3A_727 = arith.addi %mul3A_685, %add3A_726 : i32
        %swap3A_728 = arith.index_cast %add3A_604 : i32 to index
        %swap3A_729 = arith.index_cast %add3A_727 : i32 to index
        %swap3A_730 = tpu.vector_load %arg15[%swap3A_728, %swap3A_729] {strides = array<i32>} : memref<128x128xf32, #tpu.memory_space<vmem>>, vector<1x16xf32>,
        %swap3A_731 = vector.shape_cast %swap3A_730 : vector<1x16xf32> to vector<16xf32>
        %swap3A_732 = vector.shape_cast %mul3A_725 : vector<16xf32> to vector<1x16xf32>
        tpu.vector_store %arg15[%swap3A_728, %swap3A_729], %swap3A_732 {strides = array<i32>} : memref<128x128xf32, #tpu.memory_space<vmem>>, vector<1x16xf32>,
        %mul3A_733 = arith.mulf %get3A_646, %gather3A_718 : vector<16xf32>
        %add3A_734 = arith.constant 32 : i32
        %add3A_735 = arith.addi %mul3A_685, %add3A_734 : i32
        %swap3A_736 = arith.index_cast %add3A_604 : i32 to index
        %swap3A_737 = arith.index_cast %add3A_735 : i32 to index
        %swap3A_738 = tpu.vector_load %arg15[%swap3A_736, %swap3A_737] {strides = array<i32>} : memref<128x128xf32, #tpu.memory_space<vmem>>, vector<1x16xf32>,
        %swap3A_739 = vector.shape_cast %swap3A_738 : vector<1x16xf32> to vector<16xf32>
        %swap3A_740 = vector.shape_cast %mul3A_733 : vector<16xf32> to vector<1x16xf32>
        tpu.vector_store %arg15[%swap3A_736, %swap3A_737], %swap3A_740 {strides = array<i32>} : memref<128x128xf32, #tpu.memory_space<vmem>>, vector<1x16xf32>,
        %mul3A_741 = arith.mulf %get3A_664, %gather3A_718 : vector<16xf32>
        %add3A_742 = arith.constant 48 : i32
        %add3A_743 = arith.addi %mul3A_685, %add3A_742 : i32
        %swap3A_744 = arith.index_cast %add3A_604 : i32 to index
        %swap3A_745 = arith.index_cast %add3A_743 : i32 to index
        %swap3A_746 = tpu.vector_load %arg15[%swap3A_744, %swap3A_745] {strides = array<i32>} : memref<128x128xf32, #tpu.memory_space<vmem>>, vector<1x16xf32>,
        %swap3A_747 = vector.shape_cast %swap3A_746 : vector<1x16xf32> to vector<16xf32>
        %swap3A_748 = vector.shape_cast %mul3A_741 : vector<16xf32> to vector<1x16xf32>
        tpu.vector_store %arg15[%swap3A_744, %swap3A_745], %swap3A_748 {strides = array<i32>} : memref<128x128xf32, #tpu.memory_space<vmem>>, vector<1x16xf32>,
        %sub3A_749 = arith.constant 64 : i32
        %sub3A_750 = arith.subi %sub3A_749, %mul3A_685 : i32
        %add3A_751 = arith.constant 0 : i32
        %add3A_752 = arith.addi %sub3A_750, %add3A_751 : i32
        %swap3A_753 = arith.index_cast %add3A_604 : i32 to index
        %swap3A_754 = arith.index_cast %add3A_752 : i32 to index
        %swap3A_755 = tpu.vector_load %arg15[%swap3A_753, %swap3A_754] {strides = array<i32>} : memref<128x128xf32, #tpu.memory_space<vmem>>, vector<1x16xf32>,
        %swap3A_756 = vector.shape_cast %swap3A_755 : vector<1x16xf32> to vector<16xf32>
        %swap3A_757 = vector.shape_cast %broadcast_in_dim3A_1 : vector<16xf32> to vector<1x16xf32>
        tpu.vector_store %arg15[%swap3A_753, %swap3A_754], %swap3A_757 {strides = array<i32>} : memref<128x128xf32, #tpu.memory_space<vmem>>, vector<1x16xf32>,
        %add3A_758 = arith.constant 16 : i32
        %add3A_759 = arith.addi %sub3A_750, %add3A_758 : i32
        %swap3A_760 = arith.index_cast %add3A_604 : i32 to index
        %swap3A_761 = arith.index_cast %add3A_759 : i32 to index
        %swap3A_762 = tpu.vector_load %arg15[%swap3A_760, %swap3A_761] {strides = array<i32>} : memref<128x128xf32, #tpu.memory_space<vmem>>, vector<1x16xf32>,
        %swap3A_763 = vector.shape_cast %swap3A_762 : vector<1x16xf32> to vector<16xf32>
        %swap3A_764 = vector.shape_cast %broadcast_in_dim3A_1 : vector<16xf32> to vector<1x16xf32>
        tpu.vector_store %arg15[%swap3A_760, %swap3A_761], %swap3A_764 {strides = array<i32>} : memref<128x128xf32, #tpu.memory_space<vmem>>, vector<1x16xf32>,
        %add3A_765 = arith.constant 32 : i32
        %add3A_766 = arith.addi %sub3A_750, %add3A_765 : i32
        %swap3A_767 = arith.index_cast %add3A_604 : i32 to index
        %swap3A_768 = arith.index_cast %add3A_766 : i32 to index
        %swap3A_769 = tpu.vector_load %arg15[%swap3A_767, %swap3A_768] {strides = array<i32>} : memref<128x128xf32, #tpu.memory_space<vmem>>, vector<1x16xf32>,
        %swap3A_770 = vector.shape_cast %swap3A_769 : vector<1x16xf32> to vector<16xf32>
        %swap3A_771 = vector.shape_cast %broadcast_in_dim3A_1 : vector<16xf32> to vector<1x16xf32>
        tpu.vector_store %arg15[%swap3A_767, %swap3A_768], %swap3A_771 {strides = array<i32>} : memref<128x128xf32, #tpu.memory_space<vmem>>, vector<1x16xf32>,
        %add3A_772 = arith.constant 48 : i32
        %add3A_773 = arith.addi %sub3A_750, %add3A_772 : i32
        %swap3A_774 = arith.index_cast %add3A_604 : i32 to index
        %swap3A_775 = arith.index_cast %add3A_773 : i32 to index
        %swap3A_776 = tpu.vector_load %arg15[%swap3A_774, %swap3A_775] {strides = array<i32>} : memref<128x128xf32, #tpu.memory_space<vmem>>, vector<1x16xf32>,
        %swap3A_777 = vector.shape_cast %swap3A_776 : vector<1x16xf32> to vector<16xf32>
        %swap3A_778 = vector.shape_cast %broadcast_in_dim3A_1 : vector<16xf32> to vector<1x16xf32>
        tpu.vector_store %arg15[%swap3A_774, %swap3A_775], %swap3A_778 {strides = array<i32>} : memref<128x128xf32, #tpu.memory_space<vmem>>, vector<1x16xf32>,
        %lt3A_779 = arith.constant 1 : i32
        %lt3A_780 = vector.broadcast %lt3A_779 : i32 to vector<16xi32>
        %lt3A_781 = arith.cmpi slt, %iota3A, %lt3A_780 : vector<16xi32>
        %select_n3A_782 = arith.select %lt3A_781, %exp3A_712, %broadcast_in_dim3A_1 : vector<16xi1>, vector<16xf32>
        %lt3A_783 = arith.constant 1 : i32
        %lt3A_784 = vector.broadcast %lt3A_783 : i32 to vector<16xi32>
        %lt3A_785 = arith.cmpi slt, %iota3A, %lt3A_784 : vector<16xi32>
        %select_n3A_786 = arith.select %lt3A_785, %gather3A_718, %broadcast_in_dim3A_1 : vector<16xi1>, vector<16xf32>
        %get3A_787 = arith.index_cast %squeeze3A_681 : i32 to index
        %get3A_788 = tpu.vector_load %arg17[%get3A_787] {strides = array<i32>} : memref<20048xf32, #tpu.memory_space<vmem>>, vector<16xf32>,
        %get3A_789 = vector.shape_cast %get3A_788 : vector<16xf32> to vector<16xf32>
        %add3A_790 = arith.addf %get3A_789, %select_n3A_782 : vector<16xf32>
        %swap3A_791 = arith.index_cast %squeeze3A_681 : i32 to index
        %swap3A_792 = tpu.vector_load %arg17[%swap3A_791] {strides = array<i32>} : memref<20048xf32, #tpu.memory_space<vmem>>, vector<16xf32>,
        %swap3A_793 = vector.shape_cast %swap3A_792 : vector<16xf32> to vector<16xf32>
        %swap3A_794 = vector.shape_cast %add3A_790 : vector<16xf32> to vector<16xf32>
        tpu.vector_store %arg17[%swap3A_791], %swap3A_794 {strides = array<i32>} : memref<20048xf32, #tpu.memory_space<vmem>>, vector<16xf32>,
        %add3A_795 = arith.constant 10016 : i32
        %add3A_796 = arith.addi %add3A_795, %squeeze3A_681 : i32
        %get3A_797 = arith.index_cast %add3A_796 : i32 to index
        %get3A_798 = tpu.vector_load %arg17[%get3A_797] {strides = array<i32>} : memref<20048xf32, #tpu.memory_space<vmem>>, vector<16xf32>,
        %get3A_799 = vector.shape_cast %get3A_798 : vector<16xf32> to vector<16xf32>
        %add3A_800 = arith.addf %get3A_799, %select_n3A_786 : vector<16xf32>
        %add3A_801 = arith.constant 10016 : i32
        %add3A_802 = arith.addi %add3A_801, %squeeze3A_681 : i32
        %swap3A_803 = arith.index_cast %add3A_802 : i32 to index
        %swap3A_804 = tpu.vector_load %arg17[%swap3A_803] {strides = array<i32>} : memref<20048xf32, #tpu.memory_space<vmem>>, vector<16xf32>,
        %swap3A_805 = vector.shape_cast %swap3A_804 : vector<16xf32> to vector<16xf32>
        %swap3A_806 = vector.shape_cast %add3A_800 : vector<16xf32> to vector<16xf32>
        tpu.vector_store %arg17[%swap3A_803], %swap3A_806 {strides = array<i32>} : memref<20048xf32, #tpu.memory_space<vmem>>, vector<16xf32>,
        %mul3A_807 = arith.constant 4 : i32
        %mul3A_808 = arith.muli %scan3A_196, %mul3A_807 : i32
        %add3A_809 = arith.constant 3 : i32
        %add3A_810 = arith.addi %mul3A_808, %add3A_809 : i32
        %add3A_811 = arith.constant 0 : i32
        %add3A_812 = arith.addi %mul3A_187, %add3A_811 : i32
        %get3A_813 = arith.index_cast %add3A_810 : i32 to index
        %get3A_814 = arith.index_cast %add3A_812 : i32 to index
        %get3A_815 = tpu.vector_load %arg13[%get3A_813, %get3A_814] {strides = array<i32>} : memref<128x128xf32, #tpu.memory_space<vmem>>, vector<1x16xf32>,
        %get3A_816 = vector.shape_cast %get3A_815 : vector<1x16xf32> to vector<16xf32>
        %add3A_817 = arith.constant 0 : i32
        %add3A_818 = arith.addi %mul3A_187, %add3A_817 : i32
        %get3A_819 = arith.index_cast %add3A_810 : i32 to index
        %get3A_820 = arith.index_cast %add3A_818 : i32 to index
        %get3A_821 = tpu.vector_load %arg14[%get3A_819, %get3A_820] {strides = array<i32>} : memref<128x128xf32, #tpu.memory_space<vmem>>, vector<1x16xf32>,
        %get3A_822 = vector.shape_cast %get3A_821 : vector<1x16xf32> to vector<16xf32>
        %add3A_823 = arith.addf %get3A_816, %get3A_822 : vector<16xf32>
        %mul3A_824 = arith.constant 2.000000e-01 : f32
        %mul3A_825 = vector.broadcast %mul3A_824 : f32 to vector<16xf32>
        %mul3A_826 = arith.mulf %mul3A_825, %add3A_823 : vector<16xf32>
        %max3A_827 = arith.maximumf %add3A_823, %mul3A_826 : vector<16xf32>
        %mul3A_828 = arith.mulf %max3A_827, %get3A_28 : vector<16xf32>
        %add3A_829 = arith.constant 16 : i32
        %add3A_830 = arith.addi %mul3A_187, %add3A_829 : i32
        %get3A_831 = arith.index_cast %add3A_810 : i32 to index
        %get3A_832 = arith.index_cast %add3A_830 : i32 to index
        %get3A_833 = tpu.vector_load %arg13[%get3A_831, %get3A_832] {strides = array<i32>} : memref<128x128xf32, #tpu.memory_space<vmem>>, vector<1x16xf32>,
        %get3A_834 = vector.shape_cast %get3A_833 : vector<1x16xf32> to vector<16xf32>
        %add3A_835 = arith.constant 16 : i32
        %add3A_836 = arith.addi %mul3A_187, %add3A_835 : i32
        %get3A_837 = arith.index_cast %add3A_810 : i32 to index
        %get3A_838 = arith.index_cast %add3A_836 : i32 to index
        %get3A_839 = tpu.vector_load %arg14[%get3A_837, %get3A_838] {strides = array<i32>} : memref<128x128xf32, #tpu.memory_space<vmem>>, vector<1x16xf32>,
        %get3A_840 = vector.shape_cast %get3A_839 : vector<1x16xf32> to vector<16xf32>
        %add3A_841 = arith.addf %get3A_834, %get3A_840 : vector<16xf32>
        %mul3A_842 = arith.constant 2.000000e-01 : f32
        %mul3A_843 = vector.broadcast %mul3A_842 : f32 to vector<16xf32>
        %mul3A_844 = arith.mulf %mul3A_843, %add3A_841 : vector<16xf32>
        %max3A_845 = arith.maximumf %add3A_841, %mul3A_844 : vector<16xf32>
        %mul3A_846 = arith.mulf %max3A_845, %get3A_35 : vector<16xf32>
        %add3A_847 = arith.constant 32 : i32
        %add3A_848 = arith.addi %mul3A_187, %add3A_847 : i32
        %get3A_849 = arith.index_cast %add3A_810 : i32 to index
        %get3A_850 = arith.index_cast %add3A_848 : i32 to index
        %get3A_851 = tpu.vector_load %arg13[%get3A_849, %get3A_850] {strides = array<i32>} : memref<128x128xf32, #tpu.memory_space<vmem>>, vector<1x16xf32>,
        %get3A_852 = vector.shape_cast %get3A_851 : vector<1x16xf32> to vector<16xf32>
        %add3A_853 = arith.constant 32 : i32
        %add3A_854 = arith.addi %mul3A_187, %add3A_853 : i32
        %get3A_855 = arith.index_cast %add3A_810 : i32 to index
        %get3A_856 = arith.index_cast %add3A_854 : i32 to index
        %get3A_857 = tpu.vector_load %arg14[%get3A_855, %get3A_856] {strides = array<i32>} : memref<128x128xf32, #tpu.memory_space<vmem>>, vector<1x16xf32>,
        %get3A_858 = vector.shape_cast %get3A_857 : vector<1x16xf32> to vector<16xf32>
        %add3A_859 = arith.addf %get3A_852, %get3A_858 : vector<16xf32>
        %mul3A_860 = arith.constant 2.000000e-01 : f32
        %mul3A_861 = vector.broadcast %mul3A_860 : f32 to vector<16xf32>
        %mul3A_862 = arith.mulf %mul3A_861, %add3A_859 : vector<16xf32>
        %max3A_863 = arith.maximumf %add3A_859, %mul3A_862 : vector<16xf32>
        %mul3A_864 = arith.mulf %max3A_863, %get3A_42 : vector<16xf32>
        %add3A_865 = arith.constant 48 : i32
        %add3A_866 = arith.addi %mul3A_187, %add3A_865 : i32
        %get3A_867 = arith.index_cast %add3A_810 : i32 to index
        %get3A_868 = arith.index_cast %add3A_866 : i32 to index
        %get3A_869 = tpu.vector_load %arg13[%get3A_867, %get3A_868] {strides = array<i32>} : memref<128x128xf32, #tpu.memory_space<vmem>>, vector<1x16xf32>,
        %get3A_870 = vector.shape_cast %get3A_869 : vector<1x16xf32> to vector<16xf32>
        %add3A_871 = arith.constant 48 : i32
        %add3A_872 = arith.addi %mul3A_187, %add3A_871 : i32
        %get3A_873 = arith.index_cast %add3A_810 : i32 to index
        %get3A_874 = arith.index_cast %add3A_872 : i32 to index
        %get3A_875 = tpu.vector_load %arg14[%get3A_873, %get3A_874] {strides = array<i32>} : memref<128x128xf32, #tpu.memory_space<vmem>>, vector<1x16xf32>,
        %get3A_876 = vector.shape_cast %get3A_875 : vector<1x16xf32> to vector<16xf32>
        %add3A_877 = arith.addf %get3A_870, %get3A_876 : vector<16xf32>
        %mul3A_878 = arith.constant 2.000000e-01 : f32
        %mul3A_879 = vector.broadcast %mul3A_878 : f32 to vector<16xf32>
        %mul3A_880 = arith.mulf %mul3A_879, %add3A_877 : vector<16xf32>
        %max3A_881 = arith.maximumf %add3A_877, %mul3A_880 : vector<16xf32>
        %mul3A_882 = arith.mulf %max3A_881, %get3A_49 : vector<16xf32>
        %get3A_883 = arith.index_cast %add3A_810 : i32 to index
        %get3A_884 = tpu.vector_load %arg11[%get3A_883] {strides = array<i32>} : memref<144xi32, #tpu.memory_space<vmem>>, vector<16xi32>,
        %get3A_885 = vector.shape_cast %get3A_884 : vector<16xi32> to vector<16xi32>
        %slice3A_886 = vector.extract_strided_slice %get3A_885 {offsets = [0], sizes = [1], strides = [1]} : vector<16xi32> to vector<1xi32>
        %squeeze3A_887 = vector.extract %slice3A_886[0] : i32 from vector<1xi32>
        %and3A_888 = arith.constant 1 : i32
        %and3A_889 = arith.andi %squeeze3A_887, %and3A_888 : i32
        %mul3A_890 = arith.constant 64 : i32
        %mul3A_891 = arith.muli %and3A_889, %mul3A_890 : i32
        %add3A_892 = arith.addf %mul3A_828, %mul3A_846 : vector<16xf32>
        %add3A_893 = arith.addf %mul3A_864, %mul3A_882 : vector<16xf32>
        %broadcast_in_dim3A_894 = vector.shape_cast %xor3A_51 : vector<16xi32> to vector<16x1xi32>
        %gather3A_895 = vector.shape_cast %broadcast_in_dim3A_894 : vector<16x1xi32> to vector<16xi32>
        %gather3A_896 = tpu.dynamic_gather %add3A_892[%gather3A_895] in [0] : vector<16xf32>, vector<16xi32> -> vector<16xf32>
        %add3A_897 = arith.addf %add3A_892, %gather3A_896 : vector<16xf32>
        %broadcast_in_dim3A_898 = vector.shape_cast %xor3A_51 : vector<16xi32> to vector<16x1xi32>
        %gather3A_899 = vector.shape_cast %broadcast_in_dim3A_898 : vector<16x1xi32> to vector<16xi32>
        %gather3A_900 = tpu.dynamic_gather %add3A_893[%gather3A_899] in [0] : vector<16xf32>, vector<16xi32> -> vector<16xf32>
        %add3A_901 = arith.addf %add3A_893, %gather3A_900 : vector<16xf32>
        %lt3A_902 = arith.constant 8 : i32
        %lt3A_903 = vector.broadcast %lt3A_902 : i32 to vector<16xi32>
        %lt3A_904 = arith.cmpi slt, %iota3A, %lt3A_903 : vector<16xi32>
        %select_n3A_905 = arith.select %lt3A_904, %add3A_897, %add3A_901 : vector<16xi1>, vector<16xf32>
        %broadcast_in_dim3A_906 = vector.shape_cast %xor3A_54 : vector<16xi32> to vector<16x1xi32>
        %gather3A_907 = vector.shape_cast %broadcast_in_dim3A_906 : vector<16x1xi32> to vector<16xi32>
        %gather3A_908 = tpu.dynamic_gather %select_n3A_905[%gather3A_907] in [0] : vector<16xf32>, vector<16xi32> -> vector<16xf32>
        %add3A_909 = arith.addf %select_n3A_905, %gather3A_908 : vector<16xf32>
        %broadcast_in_dim3A_910 = vector.shape_cast %xor3A_57 : vector<16xi32> to vector<16x1xi32>
        %gather3A_911 = vector.shape_cast %broadcast_in_dim3A_910 : vector<16x1xi32> to vector<16xi32>
        %gather3A_912 = tpu.dynamic_gather %add3A_909[%gather3A_911] in [0] : vector<16xf32>, vector<16xi32> -> vector<16xf32>
        %add3A_913 = arith.addf %add3A_909, %gather3A_912 : vector<16xf32>
        %broadcast_in_dim3A_914 = vector.shape_cast %xor3A_60 : vector<16xi32> to vector<16x1xi32>
        %gather3A_915 = vector.shape_cast %broadcast_in_dim3A_914 : vector<16x1xi32> to vector<16xi32>
        %gather3A_916 = tpu.dynamic_gather %add3A_913[%gather3A_915] in [0] : vector<16xf32>, vector<16xi32> -> vector<16xf32>
        %add3A_917 = arith.addf %add3A_913, %gather3A_916 : vector<16xf32>
        %exp3A_918 = math.exp %add3A_917 : vector<16xf32>
        %broadcast_in_dim3A_919 = vector.shape_cast %broadcast_in_dim3A_62 : vector<16xi32> to vector<16x1xi32>
        %gather3A_920 = vector.shape_cast %broadcast_in_dim3A_919 : vector<16x1xi32> to vector<16xi32>
        %gather3A_921 = tpu.dynamic_gather %exp3A_918[%gather3A_920] in [0] : vector<16xf32>, vector<16xi32> -> vector<16xf32>
        %broadcast_in_dim3A_922 = vector.shape_cast %add3A_65 : vector<16xi32> to vector<16x1xi32>
        %gather3A_923 = vector.shape_cast %broadcast_in_dim3A_922 : vector<16x1xi32> to vector<16xi32>
        %gather3A_924 = tpu.dynamic_gather %exp3A_918[%gather3A_923] in [0] : vector<16xf32>, vector<16xi32> -> vector<16xf32>
        %mul3A_925 = arith.mulf %get3A_816, %gather3A_921 : vector<16xf32>
        %swap3A_926 = arith.index_cast %add3A_810 : i32 to index
        %swap3A_927 = arith.index_cast %mul3A_891 : i32 to index
        %swap3A_928 = tpu.vector_load %arg15[%swap3A_926, %swap3A_927] {strides = array<i32>} : memref<128x128xf32, #tpu.memory_space<vmem>>, vector<1x16xf32>,
        %swap3A_929 = vector.shape_cast %swap3A_928 : vector<1x16xf32> to vector<16xf32>
        %swap3A_930 = vector.shape_cast %mul3A_925 : vector<16xf32> to vector<1x16xf32>
        tpu.vector_store %arg15[%swap3A_926, %swap3A_927], %swap3A_930 {strides = array<i32>} : memref<128x128xf32, #tpu.memory_space<vmem>>, vector<1x16xf32>,
        %mul3A_931 = arith.mulf %get3A_834, %gather3A_921 : vector<16xf32>
        %add3A_932 = arith.constant 16 : i32
        %add3A_933 = arith.addi %mul3A_891, %add3A_932 : i32
        %swap3A_934 = arith.index_cast %add3A_810 : i32 to index
        %swap3A_935 = arith.index_cast %add3A_933 : i32 to index
        %swap3A_936 = tpu.vector_load %arg15[%swap3A_934, %swap3A_935] {strides = array<i32>} : memref<128x128xf32, #tpu.memory_space<vmem>>, vector<1x16xf32>,
        %swap3A_937 = vector.shape_cast %swap3A_936 : vector<1x16xf32> to vector<16xf32>
        %swap3A_938 = vector.shape_cast %mul3A_931 : vector<16xf32> to vector<1x16xf32>
        tpu.vector_store %arg15[%swap3A_934, %swap3A_935], %swap3A_938 {strides = array<i32>} : memref<128x128xf32, #tpu.memory_space<vmem>>, vector<1x16xf32>,
        %mul3A_939 = arith.mulf %get3A_852, %gather3A_924 : vector<16xf32>
        %add3A_940 = arith.constant 32 : i32
        %add3A_941 = arith.addi %mul3A_891, %add3A_940 : i32
        %swap3A_942 = arith.index_cast %add3A_810 : i32 to index
        %swap3A_943 = arith.index_cast %add3A_941 : i32 to index
        %swap3A_944 = tpu.vector_load %arg15[%swap3A_942, %swap3A_943] {strides = array<i32>} : memref<128x128xf32, #tpu.memory_space<vmem>>, vector<1x16xf32>,
        %swap3A_945 = vector.shape_cast %swap3A_944 : vector<1x16xf32> to vector<16xf32>
        %swap3A_946 = vector.shape_cast %mul3A_939 : vector<16xf32> to vector<1x16xf32>
        tpu.vector_store %arg15[%swap3A_942, %swap3A_943], %swap3A_946 {strides = array<i32>} : memref<128x128xf32, #tpu.memory_space<vmem>>, vector<1x16xf32>,
        %mul3A_947 = arith.mulf %get3A_870, %gather3A_924 : vector<16xf32>
        %add3A_948 = arith.constant 48 : i32
        %add3A_949 = arith.addi %mul3A_891, %add3A_948 : i32
        %swap3A_950 = arith.index_cast %add3A_810 : i32 to index
        %swap3A_951 = arith.index_cast %add3A_949 : i32 to index
        %swap3A_952 = tpu.vector_load %arg15[%swap3A_950, %swap3A_951] {strides = array<i32>} : memref<128x128xf32, #tpu.memory_space<vmem>>, vector<1x16xf32>,
        %swap3A_953 = vector.shape_cast %swap3A_952 : vector<1x16xf32> to vector<16xf32>
        %swap3A_954 = vector.shape_cast %mul3A_947 : vector<16xf32> to vector<1x16xf32>
        tpu.vector_store %arg15[%swap3A_950, %swap3A_951], %swap3A_954 {strides = array<i32>} : memref<128x128xf32, #tpu.memory_space<vmem>>, vector<1x16xf32>,
        %sub3A_955 = arith.constant 64 : i32
        %sub3A_956 = arith.subi %sub3A_955, %mul3A_891 : i32
        %add3A_957 = arith.constant 0 : i32
        %add3A_958 = arith.addi %sub3A_956, %add3A_957 : i32
        %swap3A_959 = arith.index_cast %add3A_810 : i32 to index
        %swap3A_960 = arith.index_cast %add3A_958 : i32 to index
        %swap3A_961 = tpu.vector_load %arg15[%swap3A_959, %swap3A_960] {strides = array<i32>} : memref<128x128xf32, #tpu.memory_space<vmem>>, vector<1x16xf32>,
        %swap3A_962 = vector.shape_cast %swap3A_961 : vector<1x16xf32> to vector<16xf32>
        %swap3A_963 = vector.shape_cast %broadcast_in_dim3A_1 : vector<16xf32> to vector<1x16xf32>
        tpu.vector_store %arg15[%swap3A_959, %swap3A_960], %swap3A_963 {strides = array<i32>} : memref<128x128xf32, #tpu.memory_space<vmem>>, vector<1x16xf32>,
        %add3A_964 = arith.constant 16 : i32
        %add3A_965 = arith.addi %sub3A_956, %add3A_964 : i32
        %swap3A_966 = arith.index_cast %add3A_810 : i32 to index
        %swap3A_967 = arith.index_cast %add3A_965 : i32 to index
        %swap3A_968 = tpu.vector_load %arg15[%swap3A_966, %swap3A_967] {strides = array<i32>} : memref<128x128xf32, #tpu.memory_space<vmem>>, vector<1x16xf32>,
        %swap3A_969 = vector.shape_cast %swap3A_968 : vector<1x16xf32> to vector<16xf32>
        %swap3A_970 = vector.shape_cast %broadcast_in_dim3A_1 : vector<16xf32> to vector<1x16xf32>
        tpu.vector_store %arg15[%swap3A_966, %swap3A_967], %swap3A_970 {strides = array<i32>} : memref<128x128xf32, #tpu.memory_space<vmem>>, vector<1x16xf32>,
        %add3A_971 = arith.constant 32 : i32
        %add3A_972 = arith.addi %sub3A_956, %add3A_971 : i32
        %swap3A_973 = arith.index_cast %add3A_810 : i32 to index
        %swap3A_974 = arith.index_cast %add3A_972 : i32 to index
        %swap3A_975 = tpu.vector_load %arg15[%swap3A_973, %swap3A_974] {strides = array<i32>} : memref<128x128xf32, #tpu.memory_space<vmem>>, vector<1x16xf32>,
        %swap3A_976 = vector.shape_cast %swap3A_975 : vector<1x16xf32> to vector<16xf32>
        %swap3A_977 = vector.shape_cast %broadcast_in_dim3A_1 : vector<16xf32> to vector<1x16xf32>
        tpu.vector_store %arg15[%swap3A_973, %swap3A_974], %swap3A_977 {strides = array<i32>} : memref<128x128xf32, #tpu.memory_space<vmem>>, vector<1x16xf32>,
        %add3A_978 = arith.constant 48 : i32
        %add3A_979 = arith.addi %sub3A_956, %add3A_978 : i32
        %swap3A_980 = arith.index_cast %add3A_810 : i32 to index
        %swap3A_981 = arith.index_cast %add3A_979 : i32 to index
        %swap3A_982 = tpu.vector_load %arg15[%swap3A_980, %swap3A_981] {strides = array<i32>} : memref<128x128xf32, #tpu.memory_space<vmem>>, vector<1x16xf32>,
        %swap3A_983 = vector.shape_cast %swap3A_982 : vector<1x16xf32> to vector<16xf32>
        %swap3A_984 = vector.shape_cast %broadcast_in_dim3A_1 : vector<16xf32> to vector<1x16xf32>
        tpu.vector_store %arg15[%swap3A_980, %swap3A_981], %swap3A_984 {strides = array<i32>} : memref<128x128xf32, #tpu.memory_space<vmem>>, vector<1x16xf32>,
        %lt3A_985 = arith.constant 1 : i32
        %lt3A_986 = vector.broadcast %lt3A_985 : i32 to vector<16xi32>
        %lt3A_987 = arith.cmpi slt, %iota3A, %lt3A_986 : vector<16xi32>
        %select_n3A_988 = arith.select %lt3A_987, %exp3A_918, %broadcast_in_dim3A_1 : vector<16xi1>, vector<16xf32>
        %lt3A_989 = arith.constant 1 : i32
        %lt3A_990 = vector.broadcast %lt3A_989 : i32 to vector<16xi32>
        %lt3A_991 = arith.cmpi slt, %iota3A, %lt3A_990 : vector<16xi32>
        %select_n3A_992 = arith.select %lt3A_991, %gather3A_924, %broadcast_in_dim3A_1 : vector<16xi1>, vector<16xf32>
        %get3A_993 = arith.index_cast %squeeze3A_887 : i32 to index
        %get3A_994 = tpu.vector_load %arg17[%get3A_993] {strides = array<i32>} : memref<20048xf32, #tpu.memory_space<vmem>>, vector<16xf32>,
        %get3A_995 = vector.shape_cast %get3A_994 : vector<16xf32> to vector<16xf32>
        %add3A_996 = arith.addf %get3A_995, %select_n3A_988 : vector<16xf32>
        %swap3A_997 = arith.index_cast %squeeze3A_887 : i32 to index
        %swap3A_998 = tpu.vector_load %arg17[%swap3A_997] {strides = array<i32>} : memref<20048xf32, #tpu.memory_space<vmem>>, vector<16xf32>,
        %swap3A_999 = vector.shape_cast %swap3A_998 : vector<16xf32> to vector<16xf32>
        %swap3A_1000 = vector.shape_cast %add3A_996 : vector<16xf32> to vector<16xf32>
        tpu.vector_store %arg17[%swap3A_997], %swap3A_1000 {strides = array<i32>} : memref<20048xf32, #tpu.memory_space<vmem>>, vector<16xf32>,
        %add3A_1001 = arith.constant 10016 : i32
        %add3A_1002 = arith.addi %add3A_1001, %squeeze3A_887 : i32
        %get3A_1003 = arith.index_cast %add3A_1002 : i32 to index
        %get3A_1004 = tpu.vector_load %arg17[%get3A_1003] {strides = array<i32>} : memref<20048xf32, #tpu.memory_space<vmem>>, vector<16xf32>,
        %get3A_1005 = vector.shape_cast %get3A_1004 : vector<16xf32> to vector<16xf32>
        %add3A_1006 = arith.addf %get3A_1005, %select_n3A_992 : vector<16xf32>
        %add3A_1007 = arith.constant 10016 : i32
        %add3A_1008 = arith.addi %add3A_1007, %squeeze3A_887 : i32
        %swap3A_1009 = arith.index_cast %add3A_1008 : i32 to index
        %swap3A_1010 = tpu.vector_load %arg17[%swap3A_1009] {strides = array<i32>} : memref<20048xf32, #tpu.memory_space<vmem>>, vector<16xf32>,
        %swap3A_1011 = vector.shape_cast %swap3A_1010 : vector<16xf32> to vector<16xf32>
        %swap3A_1012 = vector.shape_cast %add3A_1006 : vector<16xf32> to vector<16xf32>
        tpu.vector_store %arg17[%swap3A_1009], %swap3A_1012 {strides = array<i32>} : memref<20048xf32, #tpu.memory_space<vmem>>, vector<16xf32>,
        %scan3A_1013 = arith.constant 0 : i32
        scf.yield %scan3A_1013 : i32
      }
      %scan3A_194 = arith.constant 32 : i32
      "tpu.region"() ({
        %run_scoped3A = tpu.sem_alloc : memref<!tpu.dma_semaphore, #tpu.memory_space<semaphore_mem>>
        %dma_start3A_196 = arith.constant 0 : i32
        %dma_start3A_197 = arith.constant 0 : i32
        %dma_start3A_198 = tpu.memref_slice %arg18[%dma_start3A_196, %dma_start3A_197] : memref<5008x128xf32, #tpu.memory_space<vmem_shared>> -> memref<5008x128xf32, #tpu.memory_space<vmem_shared>>
        tpu.enqueue_indirect_dma source(%arg15 : memref<128x128xf32, #tpu.memory_space<vmem>>) target(%dma_start3A_198 : memref<5008x128xf32, #tpu.memory_space<vmem_shared>>) offsets(%arg12 : memref<128xi32, #tpu.memory_space<vmem>>) semaphore(%run_scoped3A : memref<!tpu.dma_semaphore, #tpu.memory_space<semaphore_mem>>) {add = true}
        %dma_wait3A_199 = arith.constant 0 : i32
        %dma_wait3A_200 = arith.constant 0 : i32
        %dma_wait3A_201 = tpu.memref_slice %arg18[%dma_wait3A_199, %dma_wait3A_200] : memref<5008x128xf32, #tpu.memory_space<vmem_shared>> -> memref<5008x128xf32, #tpu.memory_space<vmem_shared>>
        tpu.wait_indirect_dma semaphore(%run_scoped3A : memref<!tpu.dma_semaphore, #tpu.memory_space<semaphore_mem>>) src(%arg15 : memref<128x128xf32, #tpu.memory_space<vmem>>) dst(%dma_wait3A_201 : memref<5008x128xf32, #tpu.memory_space<vmem_shared>>)
        tpu.yield
      }) : () -> ()
      %scan3A_195 = arith.constant 0 : i32
      scf.yield %scan3A_195 : i32
    }
    %scan3A_72 = arith.constant 162 : i32
    %barrier3A_73 = arith.constant 0 : index
    tpu.barrier barrier_id(%barrier3A_73)
    "tpu.region"() ({
      %run_scoped3A = tpu.sem_alloc : memref<!tpu.dma_semaphore, #tpu.memory_space<semaphore_mem>>
      %dma_start3A = arith.constant 0 : i32
      %dma_start3A_91 = tpu.memref_slice %arg7[%arg0, %mul3A_16, %dma_start3A] : memref<2x5008x128xf32, #tpu.memory_space<hbm>> -> memref<1x128x128xf32, #tpu.memory_space<hbm>>
      %dma_start3A_92 = tpu.memref_squeeze %dma_start3A_91 : memref<1x128x128xf32, #tpu.memory_space<hbm>> -> memref<128x128xf32, #tpu.memory_space<hbm>>
      %dma_start3A_93 = arith.constant 0 : i32
      %dma_start3A_94 = tpu.memref_slice %arg18[%mul3A_16, %dma_start3A_93] : memref<5008x128xf32, #tpu.memory_space<vmem_shared>> -> memref<128x128xf32, #tpu.memory_space<vmem_shared>>
      tpu.enqueue_dma source(%dma_start3A_94 : memref<128x128xf32, #tpu.memory_space<vmem_shared>>) target(%dma_start3A_92 : memref<128x128xf32, #tpu.memory_space<hbm>>) target_semaphore(%run_scoped3A : memref<!tpu.dma_semaphore, #tpu.memory_space<semaphore_mem>>)
      %dma_wait3A = arith.constant 0 : i32
      %dma_wait3A_95 = tpu.memref_slice %arg7[%arg0, %mul3A_16, %dma_wait3A] : memref<2x5008x128xf32, #tpu.memory_space<hbm>> -> memref<1x128x128xf32, #tpu.memory_space<hbm>>
      %dma_wait3A_96 = tpu.memref_squeeze %dma_wait3A_95 : memref<1x128x128xf32, #tpu.memory_space<hbm>> -> memref<128x128xf32, #tpu.memory_space<hbm>>
      %dma_wait3A_97 = arith.constant 0 : i32
      %dma_wait3A_98 = tpu.memref_slice %arg18[%mul3A_16, %dma_wait3A_97] : memref<5008x128xf32, #tpu.memory_space<vmem_shared>> -> memref<128x128xf32, #tpu.memory_space<vmem_shared>>
      tpu.wait_dma2 semaphore(%run_scoped3A : memref<!tpu.dma_semaphore, #tpu.memory_space<semaphore_mem>>) src(%dma_wait3A_98 : memref<128x128xf32, #tpu.memory_space<vmem_shared>>) dst(%dma_wait3A_96 : memref<128x128xf32, #tpu.memory_space<hbm>>)
      tpu.yield
    }) : () -> ()
    %add3A_74 = arith.constant 128 : i32
    %add3A_75 = arith.addi %mul3A_16, %add3A_74 : i32
    %add3A_76 = arith.constant 128 : i32
    %add3A_77 = arith.addi %mul3A_16, %add3A_76 : i32
    "tpu.region"() ({
      %run_scoped3A = tpu.sem_alloc : memref<!tpu.dma_semaphore, #tpu.memory_space<semaphore_mem>>
      %dma_start3A = arith.constant 0 : i32
      %dma_start3A_91 = tpu.memref_slice %arg7[%arg0, %add3A_77, %dma_start3A] : memref<2x5008x128xf32, #tpu.memory_space<hbm>> -> memref<1x128x128xf32, #tpu.memory_space<hbm>>
      %dma_start3A_92 = tpu.memref_squeeze %dma_start3A_91 : memref<1x128x128xf32, #tpu.memory_space<hbm>> -> memref<128x128xf32, #tpu.memory_space<hbm>>
      %dma_start3A_93 = arith.constant 0 : i32
      %dma_start3A_94 = tpu.memref_slice %arg18[%add3A_75, %dma_start3A_93] : memref<5008x128xf32, #tpu.memory_space<vmem_shared>> -> memref<128x128xf32, #tpu.memory_space<vmem_shared>>
      tpu.enqueue_dma source(%dma_start3A_94 : memref<128x128xf32, #tpu.memory_space<vmem_shared>>) target(%dma_start3A_92 : memref<128x128xf32, #tpu.memory_space<hbm>>) target_semaphore(%run_scoped3A : memref<!tpu.dma_semaphore, #tpu.memory_space<semaphore_mem>>)
      %dma_wait3A = arith.constant 0 : i32
      %dma_wait3A_95 = tpu.memref_slice %arg7[%arg0, %add3A_77, %dma_wait3A] : memref<2x5008x128xf32, #tpu.memory_space<hbm>> -> memref<1x128x128xf32, #tpu.memory_space<hbm>>
      %dma_wait3A_96 = tpu.memref_squeeze %dma_wait3A_95 : memref<1x128x128xf32, #tpu.memory_space<hbm>> -> memref<128x128xf32, #tpu.memory_space<hbm>>
      %dma_wait3A_97 = arith.constant 0 : i32
      %dma_wait3A_98 = tpu.memref_slice %arg18[%add3A_75, %dma_wait3A_97] : memref<5008x128xf32, #tpu.memory_space<vmem_shared>> -> memref<128x128xf32, #tpu.memory_space<vmem_shared>>
      tpu.wait_dma2 semaphore(%run_scoped3A : memref<!tpu.dma_semaphore, #tpu.memory_space<semaphore_mem>>) src(%dma_wait3A_98 : memref<128x128xf32, #tpu.memory_space<vmem_shared>>) dst(%dma_wait3A_96 : memref<128x128xf32, #tpu.memory_space<hbm>>)
      tpu.yield
    }) : () -> ()
    %add3A_78 = arith.constant 256 : i32
    %add3A_79 = arith.addi %mul3A_16, %add3A_78 : i32
    %add3A_80 = arith.constant 256 : i32
    %add3A_81 = arith.addi %mul3A_16, %add3A_80 : i32
    "tpu.region"() ({
      %run_scoped3A = tpu.sem_alloc : memref<!tpu.dma_semaphore, #tpu.memory_space<semaphore_mem>>
      %dma_start3A = arith.constant 0 : i32
      %dma_start3A_91 = tpu.memref_slice %arg7[%arg0, %add3A_81, %dma_start3A] : memref<2x5008x128xf32, #tpu.memory_space<hbm>> -> memref<1x56x128xf32, #tpu.memory_space<hbm>>
      %dma_start3A_92 = tpu.memref_squeeze %dma_start3A_91 : memref<1x56x128xf32, #tpu.memory_space<hbm>> -> memref<56x128xf32, #tpu.memory_space<hbm>>
      %dma_start3A_93 = arith.constant 0 : i32
      %dma_start3A_94 = tpu.memref_slice %arg18[%add3A_79, %dma_start3A_93] : memref<5008x128xf32, #tpu.memory_space<vmem_shared>> -> memref<56x128xf32, #tpu.memory_space<vmem_shared>>
      tpu.enqueue_dma source(%dma_start3A_94 : memref<56x128xf32, #tpu.memory_space<vmem_shared>>) target(%dma_start3A_92 : memref<56x128xf32, #tpu.memory_space<hbm>>) target_semaphore(%run_scoped3A : memref<!tpu.dma_semaphore, #tpu.memory_space<semaphore_mem>>)
      %dma_wait3A = arith.constant 0 : i32
      %dma_wait3A_95 = tpu.memref_slice %arg7[%arg0, %add3A_81, %dma_wait3A] : memref<2x5008x128xf32, #tpu.memory_space<hbm>> -> memref<1x56x128xf32, #tpu.memory_space<hbm>>
      %dma_wait3A_96 = tpu.memref_squeeze %dma_wait3A_95 : memref<1x56x128xf32, #tpu.memory_space<hbm>> -> memref<56x128xf32, #tpu.memory_space<hbm>>
      %dma_wait3A_97 = arith.constant 0 : i32
      %dma_wait3A_98 = tpu.memref_slice %arg18[%add3A_79, %dma_wait3A_97] : memref<5008x128xf32, #tpu.memory_space<vmem_shared>> -> memref<56x128xf32, #tpu.memory_space<vmem_shared>>
      tpu.wait_dma2 semaphore(%run_scoped3A : memref<!tpu.dma_semaphore, #tpu.memory_space<semaphore_mem>>) src(%dma_wait3A_98 : memref<56x128xf32, #tpu.memory_space<vmem_shared>>) dst(%dma_wait3A_96 : memref<56x128xf32, #tpu.memory_space<hbm>>)
      tpu.yield
    }) : () -> ()
    %eq3A_82 = arith.constant 0 : i32
    %eq3A_83 = arith.cmpi eq, %arg1, %eq3A_82 : i32
    %convert_element_type3A_84 = arith.extui %eq3A_83 : i1 to i32
    %cond3A_85 = arith.constant 0 : i32
    %cond3A_86 = arith.cmpi ne, %convert_element_type3A_84, %cond3A_85 : i32
    scf.if %cond3A_86 {
      "tpu.region"() ({
        %run_scoped3A = tpu.sem_alloc : memref<!tpu.dma_semaphore, #tpu.memory_space<semaphore_mem>>
        %dma_start3A = arith.constant 4992 : i32
        %dma_start3A_91 = arith.constant 0 : i32
        %dma_start3A_92 = tpu.memref_slice %arg7[%arg0, %dma_start3A, %dma_start3A_91] : memref<2x5008x128xf32, #tpu.memory_space<hbm>> -> memref<1x16x128xf32, #tpu.memory_space<hbm>>
        %dma_start3A_93 = tpu.memref_squeeze %dma_start3A_92 : memref<1x16x128xf32, #tpu.memory_space<hbm>> -> memref<16x128xf32, #tpu.memory_space<hbm>>
        %dma_start3A_94 = arith.constant 4992 : i32
        %dma_start3A_95 = arith.constant 0 : i32
        %dma_start3A_96 = tpu.memref_slice %arg18[%dma_start3A_94, %dma_start3A_95] : memref<5008x128xf32, #tpu.memory_space<vmem_shared>> -> memref<16x128xf32, #tpu.memory_space<vmem_shared>>
        tpu.enqueue_dma source(%dma_start3A_96 : memref<16x128xf32, #tpu.memory_space<vmem_shared>>) target(%dma_start3A_93 : memref<16x128xf32, #tpu.memory_space<hbm>>) target_semaphore(%run_scoped3A : memref<!tpu.dma_semaphore, #tpu.memory_space<semaphore_mem>>)
        %dma_wait3A = arith.constant 4992 : i32
        %dma_wait3A_97 = arith.constant 0 : i32
        %dma_wait3A_98 = tpu.memref_slice %arg7[%arg0, %dma_wait3A, %dma_wait3A_97] : memref<2x5008x128xf32, #tpu.memory_space<hbm>> -> memref<1x16x128xf32, #tpu.memory_space<hbm>>
        %dma_wait3A_99 = tpu.memref_squeeze %dma_wait3A_98 : memref<1x16x128xf32, #tpu.memory_space<hbm>> -> memref<16x128xf32, #tpu.memory_space<hbm>>
        %dma_wait3A_100 = arith.constant 4992 : i32
        %dma_wait3A_101 = arith.constant 0 : i32
        %dma_wait3A_102 = tpu.memref_slice %arg18[%dma_wait3A_100, %dma_wait3A_101] : memref<5008x128xf32, #tpu.memory_space<vmem_shared>> -> memref<16x128xf32, #tpu.memory_space<vmem_shared>>
        tpu.wait_dma2 semaphore(%run_scoped3A : memref<!tpu.dma_semaphore, #tpu.memory_space<semaphore_mem>>) src(%dma_wait3A_102 : memref<16x128xf32, #tpu.memory_space<vmem_shared>>) dst(%dma_wait3A_99 : memref<16x128xf32, #tpu.memory_space<hbm>>)
        tpu.yield
      }) : () -> ()
    } else {
    }
    %mul3A_87 = arith.constant 10016 : i32
    %mul3A_88 = arith.muli %add3A, %mul3A_87 : i32
    %mul3A_89 = arith.constant 2 : i32
    %mul3A_90 = arith.muli %mul3A_88, %mul3A_89 : i32
    "tpu.region"() ({
      %run_scoped3A = tpu.sem_alloc : memref<!tpu.dma_semaphore, #tpu.memory_space<semaphore_mem>>
      %dma_start3A = arith.constant 0 : i32
      %dma_start3A_91 = tpu.memref_slice %arg17[%dma_start3A] : memref<20048xf32, #tpu.memory_space<vmem>> -> memref<20032xf32, #tpu.memory_space<vmem>>
      %dma_start3A_92 = tpu.memref_slice %arg8[%mul3A_90] : memref<641024xf32, #tpu.memory_space<hbm>> -> memref<20032xf32, #tpu.memory_space<hbm>>
      %dma_start3A_93 = tpu.memref_slice %arg8[%mul3A_90] : memref<641024xf32, #tpu.memory_space<hbm>> -> memref<20032xf32, #tpu.memory_space<hbm>>
      %dma_start3A_94 = arith.constant 0 : i32
      %dma_start3A_95 = tpu.memref_slice %arg17[%dma_start3A_94] : memref<20048xf32, #tpu.memory_space<vmem>> -> memref<20032xf32, #tpu.memory_space<vmem>>
      tpu.enqueue_dma source(%dma_start3A_95 : memref<20032xf32, #tpu.memory_space<vmem>>) target(%dma_start3A_93 : memref<20032xf32, #tpu.memory_space<hbm>>) target_semaphore(%run_scoped3A : memref<!tpu.dma_semaphore, #tpu.memory_space<semaphore_mem>>)
      %dma_wait3A = arith.constant 0 : i32
      %dma_wait3A_96 = tpu.memref_slice %arg17[%dma_wait3A] : memref<20048xf32, #tpu.memory_space<vmem>> -> memref<20032xf32, #tpu.memory_space<vmem>>
      %dma_wait3A_97 = tpu.memref_slice %arg8[%mul3A_90] : memref<641024xf32, #tpu.memory_space<hbm>> -> memref<20032xf32, #tpu.memory_space<hbm>>
      %dma_wait3A_98 = tpu.memref_slice %arg8[%mul3A_90] : memref<641024xf32, #tpu.memory_space<hbm>> -> memref<20032xf32, #tpu.memory_space<hbm>>
      %dma_wait3A_99 = arith.constant 0 : i32
      %dma_wait3A_100 = tpu.memref_slice %arg17[%dma_wait3A_99] : memref<20048xf32, #tpu.memory_space<vmem>> -> memref<20032xf32, #tpu.memory_space<vmem>>
      tpu.wait_dma2 semaphore(%run_scoped3A : memref<!tpu.dma_semaphore, #tpu.memory_space<semaphore_mem>>) src(%dma_wait3A_100 : memref<20032xf32, #tpu.memory_space<vmem>>) dst(%dma_wait3A_98 : memref<20032xf32, #tpu.memory_space<hbm>>)
      tpu.yield
    }) : () -> ()
    return
  }
}

module attributes {stable_mosaic.version = 14 : i64} {
  func.func @_mm_kernel(%arg0: memref<10016x128xf32, #tpu.memory_space<vmem>>, %arg1: memref<128x256xf32, #tpu.memory_space<vmem>>, %arg2: memref<256xf32, #tpu.memory_space<vmem>>, %arg3: memref<10016x128xf32, #tpu.memory_space<vmem>>, %arg4: memref<10016x128xf32, #tpu.memory_space<vmem>>) attributes {dimension_semantics = [], scalar_prefetch = 0 : i64, scratch_operands = 0 : i64, tpu.core_type = #tpu.core_type<tc>} {
    %get3A = arith.constant 0 : index
    %get3A_0 = arith.constant 0 : index
    %get3A_1 = vector.load %arg0[%get3A, %get3A_0] : memref<10016x128xf32, #tpu.memory_space<vmem>>, vector<10016x128xf32>
    %get3A_2 = arith.constant 0 : index
    %get3A_3 = arith.constant 0 : index
    %get3A_4 = vector.load %arg1[%get3A_2, %get3A_3] : memref<128x256xf32, #tpu.memory_space<vmem>>, vector<128x256xf32>
    %dot_general3A = arith.constant dense<0.000000e+00> : vector<10016x256xf32>
    %dot_general3A_5 = tpu.matmul %get3A_1, %get3A_4, %dot_general3A {dimension_numbers = #tpu.dot_dimension_numbers<[1], [0], [0], [1], [0, 0, 1, 1], [], []>, transpose_lhs_hint = false} : vector<10016x128xf32>, vector<128x256xf32>, vector<10016x256xf32> -> vector<10016x256xf32>
    %get3A_6 = arith.constant 0 : index
    %get3A_7 = vector.load %arg2[%get3A_6] : memref<256xf32, #tpu.memory_space<vmem>>, vector<256xf32>
    %broadcast_in_dim3A = vector.shape_cast %get3A_7 : vector<256xf32> to vector<1x256xf32>
    %add3A = vector.broadcast %broadcast_in_dim3A : vector<1x256xf32> to vector<10016x256xf32>
    %add3A_8 = arith.addf %dot_general3A_5, %add3A : vector<10016x256xf32>
    %slice3A = vector.extract_strided_slice %add3A_8 {offsets = [0, 0], sizes = [10016, 128], strides = [1, 1]} : vector<10016x256xf32> to vector<10016x128xf32>
    %swap3A = arith.constant 0 : index
    %swap3A_9 = arith.constant 0 : index
    %swap3A_10 = vector.load %arg3[%swap3A, %swap3A_9] : memref<10016x128xf32, #tpu.memory_space<vmem>>, vector<10016x128xf32>
    tpu.vector_store %arg3[%swap3A, %swap3A_9], %slice3A {strides = array<i32>} : memref<10016x128xf32, #tpu.memory_space<vmem>>, vector<10016x128xf32>,
    %slice3A_11 = vector.extract_strided_slice %add3A_8 {offsets = [0, 128], sizes = [10016, 128], strides = [1, 1]} : vector<10016x256xf32> to vector<10016x128xf32>
    %swap3A_12 = arith.constant 0 : index
    %swap3A_13 = arith.constant 0 : index
    %swap3A_14 = vector.load %arg4[%swap3A_12, %swap3A_13] : memref<10016x128xf32, #tpu.memory_space<vmem>>, vector<10016x128xf32>
    tpu.vector_store %arg4[%swap3A_12, %swap3A_13], %slice3A_11 {strides = array<i32>} : memref<10016x128xf32, #tpu.memory_space<vmem>>, vector<10016x128xf32>,
    return
  }
}

module attributes {stable_mosaic.version = 14 : i64} {
  func.func @_norm_mm_kernel(%arg0: memref<2x10016x64xf32, #tpu.memory_space<vmem>>, %arg1: memref<32x2x10016xf32, #tpu.memory_space<vmem>>, %arg2: memref<4x128xf32, #tpu.memory_space<vmem>>, %arg3: memref<128xf32, #tpu.memory_space<vmem>>, %arg4: memref<128x256xf32, #tpu.memory_space<vmem>>, %arg5: memref<256xf32, #tpu.memory_space<vmem>>, %arg6: memref<10016x128xf32, #tpu.memory_space<vmem>>, %arg7: memref<10016x128xf32, #tpu.memory_space<vmem>>) attributes {dimension_semantics = [], scalar_prefetch = 0 : i64, scratch_operands = 0 : i64, tpu.core_type = #tpu.core_type<tc>} {
    %get3A = arith.constant 0 : index
    %get3A_0 = arith.constant 0 : index
    %get3A_1 = arith.constant 0 : index
    %get3A_2 = vector.load %arg0[%get3A, %get3A_0, %get3A_1] : memref<2x10016x64xf32, #tpu.memory_space<vmem>>, vector<1x10016x64xf32>
    %get3A_3 = vector.shape_cast %get3A_2 : vector<1x10016x64xf32> to vector<10016x64xf32>
    %get3A_4 = arith.constant 1 : index
    %get3A_5 = arith.constant 0 : index
    %get3A_6 = arith.constant 0 : index
    %get3A_7 = vector.load %arg0[%get3A_4, %get3A_5, %get3A_6] : memref<2x10016x64xf32, #tpu.memory_space<vmem>>, vector<1x10016x64xf32>
    %get3A_8 = vector.shape_cast %get3A_7 : vector<1x10016x64xf32> to vector<10016x64xf32>
    %concatenate3A = tpu.concatenate %get3A_3, %get3A_8 in 1 : vector<10016x64xf32>, vector<10016x64xf32> -> vector<10016x128xf32>
    %get3A_9 = arith.constant 0 : index
    %get3A_10 = arith.constant 0 : index
    %get3A_11 = arith.constant 0 : index
    %get3A_12 = vector.load %arg1[%get3A_9, %get3A_10, %get3A_11] : memref<32x2x10016xf32, #tpu.memory_space<vmem>>, vector<16x2x10016xf32>
    %reduce_sum3A = arith.constant dense<0.000000e+00> : vector<2x10016xf32>
    %reduce_sum3A_13 = vector.multi_reduction <add>, %get3A_12, %reduce_sum3A [0] : vector<16x2x10016xf32> to vector<2x10016xf32>
    %get3A_14 = arith.constant 16 : index
    %get3A_15 = arith.constant 0 : index
    %get3A_16 = arith.constant 0 : index
    %get3A_17 = vector.load %arg1[%get3A_14, %get3A_15, %get3A_16] : memref<32x2x10016xf32, #tpu.memory_space<vmem>>, vector<16x2x10016xf32>
    %reduce_sum3A_18 = arith.constant dense<0.000000e+00> : vector<2x10016xf32>
    %reduce_sum3A_19 = vector.multi_reduction <add>, %get3A_17, %reduce_sum3A_18 [0] : vector<16x2x10016xf32> to vector<2x10016xf32>
    %concatenate3A_20 = tpu.concatenate %reduce_sum3A_13, %reduce_sum3A_19 in 0 : vector<2x10016xf32>, vector<2x10016xf32> -> vector<4x10016xf32>
    %get3A_21 = arith.constant 0 : index
    %get3A_22 = arith.constant 0 : index
    %get3A_23 = vector.load %arg2[%get3A_21, %get3A_22] : memref<4x128xf32, #tpu.memory_space<vmem>>, vector<4x128xf32>
    %dot_general3A = arith.constant dense<0.000000e+00> : vector<10016x128xf32>
    %dot_general3A_24 = tpu.matmul %concatenate3A_20, %get3A_23, %dot_general3A {dimension_numbers = #tpu.dot_dimension_numbers<[0], [0], [1], [1], [0, 1, 1, 1], [], []>, transpose_lhs_hint = false} : vector<4x10016xf32>, vector<4x128xf32>, vector<10016x128xf32> -> vector<10016x128xf32>
    %add3A = arith.constant 1.000000e-16 : f32
    %add3A_25 = vector.broadcast %add3A : f32 to vector<10016x128xf32>
    %add3A_26 = arith.addf %dot_general3A_24, %add3A_25 : vector<10016x128xf32>
    %div3A = arith.divf %concatenate3A, %add3A_26 : vector<10016x128xf32>
    %get3A_27 = arith.constant 0 : index
    %get3A_28 = vector.load %arg3[%get3A_27] : memref<128xf32, #tpu.memory_space<vmem>>, vector<128xf32>
    %broadcast_in_dim3A = vector.shape_cast %get3A_28 : vector<128xf32> to vector<1x128xf32>
    %add3A_29 = vector.broadcast %broadcast_in_dim3A : vector<1x128xf32> to vector<10016x128xf32>
    %add3A_30 = arith.addf %div3A, %add3A_29 : vector<10016x128xf32>
    %gt3A = arith.constant 0.000000e+00 : f32
    %gt3A_31 = vector.broadcast %gt3A : f32 to vector<10016x128xf32>
    %gt3A_32 = arith.cmpf ogt, %add3A_30, %gt3A_31 : vector<10016x128xf32>
    %exp3A = math.exp %add3A_30 : vector<10016x128xf32>
    %sub3A = arith.constant 1.000000e+00 : f32
    %sub3A_33 = vector.broadcast %sub3A : f32 to vector<10016x128xf32>
    %sub3A_34 = arith.subf %exp3A, %sub3A_33 : vector<10016x128xf32>
    %select_n3A = arith.select %gt3A_32, %add3A_30, %sub3A_34 : vector<10016x128xi1>, vector<10016x128xf32>
    %get3A_35 = arith.constant 0 : index
    %get3A_36 = arith.constant 0 : index
    %get3A_37 = vector.load %arg4[%get3A_35, %get3A_36] : memref<128x256xf32, #tpu.memory_space<vmem>>, vector<128x256xf32>
    %dot_general3A_38 = arith.constant dense<0.000000e+00> : vector<10016x256xf32>
    %dot_general3A_39 = tpu.matmul %select_n3A, %get3A_37, %dot_general3A_38 {dimension_numbers = #tpu.dot_dimension_numbers<[1], [0], [0], [1], [0, 0, 1, 1], [], []>, transpose_lhs_hint = false} : vector<10016x128xf32>, vector<128x256xf32>, vector<10016x256xf32> -> vector<10016x256xf32>
    %get3A_40 = arith.constant 0 : index
    %get3A_41 = vector.load %arg5[%get3A_40] : memref<256xf32, #tpu.memory_space<vmem>>, vector<256xf32>
    %broadcast_in_dim3A_42 = vector.shape_cast %get3A_41 : vector<256xf32> to vector<1x256xf32>
    %add3A_43 = vector.broadcast %broadcast_in_dim3A_42 : vector<1x256xf32> to vector<10016x256xf32>
    %add3A_44 = arith.addf %dot_general3A_39, %add3A_43 : vector<10016x256xf32>
    %slice3A = vector.extract_strided_slice %add3A_44 {offsets = [0, 0], sizes = [10016, 128], strides = [1, 1]} : vector<10016x256xf32> to vector<10016x128xf32>
    %swap3A = arith.constant 0 : index
    %swap3A_45 = arith.constant 0 : index
    %swap3A_46 = vector.load %arg6[%swap3A, %swap3A_45] : memref<10016x128xf32, #tpu.memory_space<vmem>>, vector<10016x128xf32>
    tpu.vector_store %arg6[%swap3A, %swap3A_45], %slice3A {strides = array<i32>} : memref<10016x128xf32, #tpu.memory_space<vmem>>, vector<10016x128xf32>,
    %slice3A_47 = vector.extract_strided_slice %add3A_44 {offsets = [0, 128], sizes = [10016, 128], strides = [1, 1]} : vector<10016x256xf32> to vector<10016x128xf32>
    %swap3A_48 = arith.constant 0 : index
    %swap3A_49 = arith.constant 0 : index
    %swap3A_50 = vector.load %arg7[%swap3A_48, %swap3A_49] : memref<10016x128xf32, #tpu.memory_space<vmem>>, vector<10016x128xf32>
    tpu.vector_store %arg7[%swap3A_48, %swap3A_49], %slice3A_47 {strides = array<i32>} : memref<10016x128xf32, #tpu.memory_space<vmem>>, vector<10016x128xf32>,
    return
  }
}

</mosaic_0001>

<sc_bundles>
// kernel: closed_call.17.cloned.1.call-start
scs
__scs_entry_jumppad:
0x0: {  	(pc) =	sbr.rel $0x88, $3  }
0x1: {  	(tag) =	ssettag $0x0;
	lr =	simm.s32 $0x1  }
0x2: {  	[smem:$0x3F91] =	sst lr;
	_ =	strace $0xD0000000  }
0x3: {  	_ = 	snop  }
0x4: {  	_ = 	snop  }
0x5: {  	_ = 	snop  }
0x6: {  	_ = 	snop  }
0x7: {  	_ = 	snop  }
__scs_overlays_trampoline_lowered:
0x8: {  	[smem:$0x3FA0] =	sst s0  }
0x9: {  	[smem:$0x3FA1] =	sst s1  }
0xa: {  	[smem:$0x3FA2] =	sst s2  }
0xb: {  	[smem:$0x3FA3] =	sst s3  }
0xc: {  	[smem:$0x3FA4] =	sst s4  }
0xd: {  	[smem:$0x3FA5] =	sst s5  }
0xe: {  	[smem:$0x3FA6] =	sst s6  }
0xf: {  	[smem:$0x3FA7] =	sst s7  }
0x10: {  	[smem:$0x3FA8] =	sst s8  }
0x11: {  	[smem:$0x3FA9] =	sst s9;
	s0 =	simm.s32 @!p0 $0x0  }
0x12: {  	s1 =	sld [smem:$0x3F8F];
	s0 =	simm.s32 @p0 $0x1  }
0x13: {  	[smem:$0x3FAA] =	sst s0;
	s0 =	simm.s32 @!p1 $0x0  }
0x14: {  	s2 =	sld [smem:$0x3F8E];
	s0 =	simm.s32 @p1 $0x1  }
0x15: {  	[smem:$0x3FAB] =	sst s0;
	s0 =	simm.s32 @!p2 $0x0  }
0x16: {  	s3 =	sld [smem:$0x3FDB];
	s0 =	simm.s32 @p2 $0x1  }
0x17: {  	s4 =	simm.s32 $0x1BF5;
	[smem:$0x3FAD] =	sst s0  }
0x18: {  	s0 =	sld [smem:$0x3F90];
	_ =	swait.ge [sflag:s4], $0x0  }
0x19: {  	s7 =	sld [smem:$0x3F91]  }
0x1a: {  	s8 =	sadd.s32 $0xFFFFE003, lr  }
0x1b: {  	s9 =	sadd.s32 $0xFFFFFEF7, lr;
	s5 =	simm.s32 $0xFFFFFFFF;
	p2 =	slt.u32 s8, $0xFFFFF086  }
0x1c: {  	p1 =	slt.u32 s9, $0xF7A;
	s5 =	simm.s32 @!p2 $0x0  }
0x1d: {  	s5 =	simm.s32 @p1 $0x1;
	p0 =	seq.s32 s7, s2  }
0x1e: {  	s7 =	smul.u32 @!p0 $0xF7A, s2;
	p2 =	seq.s32 @!p0 s5, $0x0  }
0x1f: {  	s9 =	smul.u32 $0xF7A, s1;
	s8 =	simm.s32 @!p0 $0x1BF5;
	p2 =	por !p2, p0  }
0x20: {  	[sflag:s8] =	ssyncset.s32 @!p0 $0xFFFFF086;
	s6 =	sadd.s32 @!p0 s3, s7;
	s7 =	simm.s32 @!p0 $0x108  }
0x21: {  	s3 =	sadd.s32 s3, s9;
	s6 =	sadd.s32 @!p0 $0x88, s6;
	s7 =	simm.s32 @p2 $0x1082  }
0x22: {  	[simem:s7], [sflag:s8] =	dma.local @!p0 [hbm:s6], $0xF7A  }
0x23: {  	s9 =	sor.u32 $0xD0000000, s2;
	s6 =	simm.s32 $0x108;
	_ =	swait.ge @!p0 [sflag:s8], $0x0  }
0x24: {  	s3 =	sadd.s32 $0x88, s3;
	s6 =	simm.s32 @!p1 $0x1082;
	[sflag:s4] =	ssyncset.s32 $0xFFFFF086  }
0x25: {  	[simem:s6], [sflag:s4] =	dma.local [hbm:s3], $0xF7A  }
0x26: {  	[smem:$0x3F91] =	sst s1;
	(tag) =	ssettag s2;
	_ =	strace s9  }
0x27: {  	s1 =	sld [smem:$0x3FA1]  }
0x28: {  	s2 =	sld [smem:$0x3FA2]  }
0x29: {  	s4 =	sld [smem:$0x3FA4]  }
0x2a: {  	p0 =	seq.s32 s5, $0x0;
	s5 =	sld [smem:$0x3FA5]  }
0x2b: {  	s6 =	sld [smem:$0x3FA6]  }
0x2c: {  	s7 =	sld [smem:$0x3FA7]  }
0x2d: {  	s3 =	simm.s32 $0x108;
	s8 =	sld [smem:$0x3FA8]  }
0x2e: {  	s3 =	simm.s32 @!p0 $0x1082;
	s9 =	sld [smem:$0x3FA9]  }
0x2f: {  	lr =	sadd.s32 s0, s3;
	s0 =	sld [smem:$0x3FA0]  }
0x30: {  	s3 =	sld [smem:$0x3FA3]  }
0x31: {  	[smem:$0x3FAC] =	sst s10  }
0x32: {  	s10 =	sld [smem:$0x3FAA];
	_ =	sdelay $0x3  }
0x33: {  	p0 =	seq.s32 s10, $0x1;
	s10 =	sld [smem:$0x3FAC];
	_ =	sdelay $0x3  }
0x34: {  	[smem:$0x3FAC] =	sst s10  }
0x35: {  	s10 =	sld [smem:$0x3FAB];
	_ =	sdelay $0x3  }
0x36: {  	p1 =	seq.s32 s10, $0x1;
	s10 =	sld [smem:$0x3FAC];
	_ =	sdelay $0x3  }
0x37: {  	[smem:$0x3FAC] =	sst s10  }
0x38: {  	s10 =	sld [smem:$0x3FAD]  }
0x39: {  	_ = 	snop;
	(pc) =	sbr.ind lr, $3  }
0x3a: {  	_ = 	snop  }
0x3b: {  	_ = 	snop  }
0x3c: {  	p2 =	seq.s32 s10, $0x1;
	s10 =	sld [smem:$0x3FAC]  }
0x3d: {  	_ =	shalt  }
0x3e: {  	_ =	shalt  }
0x3f: {  	_ =	shalt  }
0x40: {  	_ =	shalt  }
0x41: {  	_ =	shalt  }
0x42: {  	_ =	shalt  }
0x43: {  	_ =	shalt  }
0x44: {  	_ =	shalt  }
0x45: {  	_ =	shalt  }
0x46: {  	_ =	shalt  }
0x47: {  	_ =	shalt  }
0x48: {  	_ =	shalt  }
0x49: {  	_ =	shalt  }
0x4a: {  	_ =	shalt  }
0x4b: {  	_ =	shalt  }
0x4c: {  	_ =	shalt  }
0x4d: {  	_ =	shalt  }
0x4e: {  	_ =	shalt  }
0x4f: {  	_ =	shalt  }
0x50: {  	_ =	shalt  }
0x51: {  	_ =	shalt  }
0x52: {  	_ =	shalt  }
0x53: {  	_ =	shalt  }
0x54: {  	_ =	shalt  }
0x55: {  	_ =	shalt  }
0x56: {  	_ =	shalt  }
0x57: {  	_ =	shalt  }
0x58: {  	_ =	shalt  }
0x59: {  	_ =	shalt  }
0x5a: {  	_ =	shalt  }
0x5b: {  	_ =	shalt  }
0x5c: {  	_ =	shalt  }
0x5d: {  	_ =	shalt  }
0x5e: {  	_ =	shalt  }
0x5f: {  	_ =	shalt  }
0x60: {  	_ =	shalt  }
0x61: {  	_ =	shalt  }
0x62: {  	_ =	shalt  }
0x63: {  	_ =	shalt  }
0x64: {  	_ =	shalt  }
0x65: {  	_ =	shalt  }
0x66: {  	_ =	shalt  }
0x67: {  	_ =	shalt  }
0x68: {  	_ =	shalt  }
0x69: {  	_ =	shalt  }
0x6a: {  	_ =	shalt  }
0x6b: {  	_ =	shalt  }
0x6c: {  	_ =	shalt  }
0x6d: {  	_ =	shalt  }
0x6e: {  	_ =	shalt  }
0x6f: {  	_ =	shalt  }
0x70: {  	_ =	shalt  }
0x71: {  	_ =	shalt  }
0x72: {  	_ =	shalt  }
0x73: {  	_ =	shalt  }
0x74: {  	_ =	shalt  }
0x75: {  	_ =	shalt  }
0x76: {  	_ =	shalt  }
0x77: {  	_ =	shalt  }
0x78: {  	_ =	shalt  }
0x79: {  	_ =	shalt  }
0x7a: {  	_ =	shalt  }
0x7b: {  	_ =	shalt  }
0x7c: {  	_ =	shalt  }
0x7d: {  	_ =	shalt  }
0x7e: {  	_ =	shalt  }
0x7f: {  	_ =	shalt  }
0x80: {  	_ =	shalt  }
0x81: {  	_ =	shalt  }
0x82: {  	_ =	shalt  }
0x83: {  	_ =	shalt  }
0x84: {  	_ =	shalt  }
0x85: {  	_ =	shalt  }
0x86: {  	_ =	shalt  }
0x87: {  	_ =	shalt  }
.Lfunc_end0:
.L_simem_size_0:
called_computation_lowered:
.L_overlay_start_0:
0x88: {  	s2 =	sld [smem:$0x3FD9]  }
0x89: {  	s3 =	sld [smem:$0x3FFE];
	_ =	sdelay $0x1  }
0x8a: {  	s1 =	srdreg.scid  }
0x8b: {  	s0 =	sand.u32 $0x1, s1  }
0x8c: {  	s17 =	sshll.u32 s0, $0xA;
	s2 =	sadd.s32 s3, s2  }
0x8d: {  	s2 =	sadd.s32 s2, s17  }
0x8e: {  	[smem:$0x3FB8] =	sst s2  }
0x8f: {  	_ = 	snop  }
0x90: {  	s2 =	sld [smem:$0x3FD0];
	(tm) =	ssettm $0x1  }
0x91: {  	s18 =	sld [smem:$0x3FFB];
	_ =	sdelay $0x3  }
0x92: {  	_ =	strace s18  }
0x93: {  	s3 =	sld [smem:$0x3FFC];
	_ =	sdelay $0x3  }
0x94: {  	_ =	strace s3  }
0x95: {  	s3 =	sld [smem:$0x3FFD];
	_ =	sdelay $0x3  }
0x96: {  	_ =	strace s3  }
0x97: {  	_ =	strace $0x8FFFFFFF  }
0x98: {  	s19 =	sld [smem:$0x3FDB];
	_ =	sdelay $0x1  }
0x99: {  	s4 =	simm.s32 $_scs_section_size  }
0x9a: {  	s5 =	simm.s32 $_size__tile_overlayer_lowered;
	s6 =	simm.s32 $_tile_overlayer_lowered  }
0x9b: {  	s22 =	simm.s32 $0x1BFF;
	s21 =	sshll.u32 s6, $0x1;
	s3 =	sadd.s32 s4, s19  }
0x9c: {  	s7 =	simm.s32 $0x0;
	s20 =	sshll.u32 s5, $0x1;
	s5 =	sadd.s32 s21, s3  }
0x9d: {  	[timem:s7], [sflag:s22] =	dma.local [hbm:s5], s20  }
0x9e: {  	_ =	swait.ge [sflag:s22], s20  }
0x9f: {  	s4 =	ssub.s32 $0x0, s20;
	[sflag:s22] =	ssyncset.done $0x0  }
0xa0: {  	[sflag:s22] =	ssyncadd.s32 s4;
	_ =	sdelay $0x1  }
0xa1: {  	s23 =	simm.s32 $0x1B8B  }
0xa2: {  	_ =	swait.ge [sflag:s23], $0x1  }
0xa3: {  	[sflag:s23] =	ssyncset.done $0x0  }
0xa4: {  	s25 =	simm.s32 $0x1B8E;
	s24 =	sld [smem:$0x3FFE];
	[sflag:s23] =	ssyncadd.s32 $0xFFFFFFFF  }
0xa5: {  	s26 =	simm.s32 $execute0_lowered;
	[smem:$0x3FD2] =	sst s25  }
0xa6: {  	s5 =	sshll.u32 s26, $0x1;
	_ =	strace $0x80000046;
	[dreg:$0x1] =	wrdreg $0xFFFFFFFF  }
0xa7: {  	s28 =	simm.s32 $_size_execute0_lowered;
	s3 =	sadd.s32 s3, s5;
	[dreg:$0x0] =	wrdreg $0x0  }
0xa8: {  	s5 =	sshll.u32 s28, $0x1;
	[dreg:$0x2] =	wrdreg s3  }
0xa9: {  	[dreg:$0x3] =	wrdreg s5  }
0xaa: {  	[dreg:$0x4] =	wrdreg $0xC0  }
0xab: {  	_ =	task [dreg:s7], $0x5FFFF  }
0xac: {  	[dreg:$0x1] =	wrdreg $0xFFFFFFFF  }
0xad: {  	[dreg:$0x0] =	wrdreg $0x60  }
0xae: {  	[dreg:$0x2] =	wrdreg s24  }
0xaf: {  	[dreg:$0x3] =	wrdreg s2  }
0xb0: {  	[dreg:$0x4] =	wrdreg $0x111800  }
0xb1: {  	[dreg:$0x5] =	wrdreg $0x9  }
0xb2: {  	_ =	task.clear_ibuf [dreg:s7], $0x6FFFF;
	_ =	strace $0x90000046  }
0xb3: {  	s29 =	simm.s32 $0x9;
	_ =	strace $0x80000048  }
0xb4: {  	_ =	swait.ge [sflag:s29], $0x1  }
0xb5: {  	[sflag:s29] =	ssyncadd.s32 $0xFFFFFFFF  }
0xb6: {  	_ =	strace $0x90000048  }
0xb7: {  	_ =	sfence  }
0xb8: {  	s30 =	sld [smem:$0x0];
	_ =	sdelay $0x2  }
0xb9: {  	s31 =	sshll.u32 s1, $0xD;
	s1 =	sshrl.u32 s1, $0x2  }
0xba: {  	s3 =	sand.u32 $0x4000, s31;
	s1 =	sadd.s32 s1, s30  }
0xbb: {  	s0 =	sor.u32 s3, s0;
	s1 =	sshll.u32 s1, $0x11  }
0xbc: {  	s0 =	sor.u32 s1, s0  }
0xbd: {  	s0 =	sadd.s32 $0x8F2B, s0  }
0xbe: {  	[sflag:s0] =	ssyncadd.remote.s32 $0x1  }
0xbf: {  	_ =	sfence.sel $0xFFFF  }
0xc0: {  	[dreg:$0x0] =	wrdreg $0xFFFFFFFF;
	(pc) =	sbr.abs _section_cstart, $3  }
0xc1: {  	[dreg:$0x1] =	wrdreg $0xFFFFFFFF  }
0xc2: {  	_ =	task.clear_ibuf [dreg:s7], $0x2FFFF;
	_ =	strace $0x9FFFFFFF  }
0xc3: {  	(tm) =	ssettm $0x7FFFFFFF  }
tec
execute0_lowered:
.L_overlay_start_1:
0x0: {  	(tag) =	ssettag $0x1  }
0x1: {  	s2 =	rddreg [dreg:$0x0]  }
0x2: {  	s0 =	rddreg [dreg:$0x1]  }
0x3: {  	s1 =	rddreg [dreg:$0x2];
	s3 =	simm.s32 $0x0;
	s5 =	srdreg.scid  }
0x4: {  	s19 =	stileid.u32;
	s28 =	simm.s32 $0x80;
	s29 =	simm.s32 $0x100  }
0x5: {  	s30 =	simm.s32 $0x280;
	s31 =	simm.s32 $0x4280;
	[smem:$0x7FF] =	sst s3  }
0x6: {  	s3 =	sadd.s32 $0x28C00, s2;
	s4 =	sadd.s32 $0x1A00, s2;
	s5 =	sand.u32 $0x1, s5  }
0x7: {  	s6 =	sadd.s32 $0x5A000, s2;
	s9 =	smul.u32 $0x27000, s19;
	s7 =	sadd.s32 $0x4FE00, s2  }
0x8: {  	s14 =	smul.u32 $0x9C00, s19;
	s11 =	sadd.s32 $0x64200, s2;
	s2 =	sadd.s32 $0x64400, s2  }
0x9: {  	s13 =	sadd.s32 $0x9C000, s1;
	p0 =	sne.s32 s19, $0x0;
	_ =	strace $0x80000047  }
0xa: {  	s8 =	ssub.s32 $0x2, s5;
	[dreg:$0x4] =	wrdreg s11;
	s18 =	sshll.u32 s5, $0x4  }
0xb: {  	s11 =	sshll.u32 s5, $0x6;
	s5 =	smul.u32 $0x9C800, s5;
	s10 =	sshrl.u32 s8, $0x1  }
0xc: {  	v0 =	vimm.s32 $0x76543210;
	s9 =	sshrl.u32 s9, $0x2;
	s15 =	sadd.s32 $0x4000, s14;
	s16 =	sor.u32 s19, s18  }
0xd: {  	v1 =	vimm.s32 $0xFEDCBA98;
	v4 =	vimm.s32 $0xDCFE98BA;
	s18 =	sadd.s32 $0x8000, s14;
	s17 =	sor.u32 $0x10, s11;
	s20 =	sor.u32 $0x20, s11  }
0xe: {  	v5 =	vimm.s32 $0x54761032;
	v6 =	vimm.s32 $0xEFCDAB89;
	v0 =	vunpack.c.l.s4.s8 v0;
	s21 =	sor.u32 $0x30, s11;
	s25 =	sor.u32 $0x4380, s11;
	s26 =	sor.u32 $0x380, s11  }
0xf: {  	v7 =	vimm.s32 $0x67452301;
	vm0 =	vmmov $0xff;
	v1 =	vunpack.c.l.s4.s8 v1;
	s8 =	ssub.s32 s8, s10;
	s9 =	sadd.s32 s9, s1;
	[dreg:$0x5] =	wrdreg s17  }
0x10: {  	vm1 =	vmmov $0x1;
	v4 =	vunpack.c.l.s4.s8 v4;
	v3 =	vunpack.c.0.s8.s32 v0;
	s10 =	sadd.s32 s15, s1;
	s12 =	sadd.s32 s18, s1;
	[dreg:$0x6] =	wrdreg s20  }
0x11: {  	v2 =	vunpack.c.0.s8.s32 v1;
	v0 =	vimm.s32 $0xBA98FEDC;
	v1 =	vimm.s32 $0x32107654;
	[dreg:$0x7] =	wrdreg s21;
	s14 =	sadd.s32 s14, s5;
	s17 =	smul.u32 $0xA2, s19  }
0x12: {  	v5 =	vunpack.c.l.s4.s8 v5;
	s15 =	sadd.s32 s5, s15;
	v0 =	vunpack.c.l.s4.s8 v0;
	v1 =	vunpack.c.l.s4.s8 v1;
	s23 =	sadd.s32 s5, s18;
	s5 =	sshrl.u32 s5, $0x3  }
0x13: {  	v6 =	vunpack.c.l.s4.s8 v6;
	v7 =	vunpack.c.l.s4.s8 v7;
	v4 =	vunpack.c.0.s8.s32 v4;
	s16 =	smul.u32 $0x9C8, s16;
	s14 =	sshrl.u32 s14, $0x3;
	s22 =	sshrl.u32 s15, $0x3  }
0x14: {  	v5 =	vunpack.c.0.s8.s32 v5;
	s15 =	sshrl.u32 s23, $0x3;
	s23 =	smax.u32 s8, $0x1;
	s14 =	sadd.s32 s2, s14;
	v0 =	vunpack.c.0.s8.s32 v0;
	v1 =	vunpack.c.0.s8.s32 v1  }
0x15: {  	v6 =	vunpack.c.0.s8.s32 v6;
	v7 =	vunpack.c.0.s8.s32 v7;
	v9 =	vand.u32 $0xF, v2;
	s24 =	sadd.s32 s2, s15;
	s0 =	sadd.s32 s0, s16;
	[dreg:$0x8] =	wrdreg s14  }
0x16: {  	v5 =	vcombine.low v5, v4;
	s14 =	sadd.s32 s2, s22;
	[dreg:$0xa] =	wrdreg s24;
	s2 =	sadd.s32 s2, s5;
	v8 =	vcombine.low v1, v0;
	v0 =	vmov s26  }
0x17: {  	v6 =	vcombine.low v7, v6;
	v2 =	vimm.f32 $0.0e+00;
	[dreg:$0xb] =	wrdreg s0;
	s24 =	simm.s32 $0x8280;
	s0 =	simm.s32 $0x1;
	v1 =	vmov s25  }
0x18: {  	v7 =	vimm.s32 $0x0;
	v3 =	vcombine.low v9, v3;
	v5 =	vand.u32 $0xF, v5;
	s5 =	simm.s32 $0x0;
	[dreg:$0x9] =	wrdreg s14;
	s22 =	sadd.s32 $0x13800, s2  }
0x19: {  	v6 =	vand.u32 $0xF, v6;
	s25 =	simm.s32 $0x3;
	s2 =	simm.s32 $0x2;
	s26 =	simm.s32 $0x200;
	v4 =	vand.u32 $0xF, v8;
	v8 =	vimm.s32 $0x8  }
.LBB2_1:
0x1a: {  	s8 =	simm.s32 $0x0;
	s14 =	simm.s32 $0x200  }
.LBB2_2:
0x1b: {  	p1 =	sne.s32 s14, $0xFE00;
	[tilespmem:s8+$0x82F0] =	vst v2  }
0x1c: {  	[tilespmem:s8+$0x8280] =	vst v2  }
0x1d: {  	[tilespmem:s8+$0x8290] =	vst v2  }
.Ltmp0:
0x1e: {  	[tilespmem:s8+$0x82A0] =	vst v2;
	(pc) =	sbr.rel @p1 .LBB2_2-.Ltmp0, $4  }
0x1f: {  	[tilespmem:s8+$0x82B0] =	vst v2  }
0x20: {  	[tilespmem:s8+$0x82C0] =	vst v2  }
0x21: {  	[tilespmem:s8+$0x82D0] =	vst v2  }
0x22: {  	[tilespmem:s8+$0x82E0] =	vst v2;
	s8 =	sshra.s32 s14, $0x2;
	s14 =	sadd.s32 $0x200, s14  }
0x23: {  	[tilespmem:s8+$0x82F0] =	vst v2  }
0x24: {  	[tilespmem:s8+$0x8280] =	vst v2  }
0x25: {  	[tilespmem:s8+$0x8290] =	vst v2  }
0x26: {  	[tilespmem:s8+$0x82A0] =	vst v2  }
0x27: {  	[tilespmem:s8+$0x82B0] =	vst v2  }
0x28: {  	[tilespmem:s8+$0x82C0] =	vst v2  }
0x29: {  	[tilespmem:s8+$0x82D0] =	vst v2  }
0x2a: {  	[tilespmem:s8+$0x82E0] =	vst v2;
	s8 =	simm.s32 $0x40;
	s14 =	simm.s32 $0x0  }
.LBB2_4:
0x2b: {  	p1 =	sne.s32 s8, $0x13900;
	[tilespmem:s14+$0xC300] =	vst v2;
	s14 =	smov.u32 s8;
	s8 =	sadd.s32 $0x40, s8  }
.Ltmp1:
0x2c: {  	(pc) =	sbr.rel @p1 .LBB2_4-.Ltmp1, $2  }
0x2d: {  	_ =	sdelay $0x2  }
0x2e: {  	s14 =	sshra.s32 s14, $0x2  }
0x2f: {  	[tilespmem:s14+$0xC300] =	vst v2  }
0x30: {  	[spmem:s9] =	stream.linear.scatter [tilespmem:s24], [sflag:$0x3], $0x4000, $0x38;
	[tilespmem:$0x1AE00] =	vst v63  }
0x31: {  	_ =	swait.ge [sflag:s25], $0x4000  }
0x32: {  	[sflag:s25] =	ssyncset.done $0x0  }
0x33: {  	[sflag:s25] =	ssyncadd.s32 $0xFFFFC000  }
0x34: {  	[spmem:s10] =	stream.linear.scatter [tilespmem:s24], [sflag:$0x3], $0x4000, $0x38;
	[tilespmem:$0x1AE00] =	vst v63  }
0x35: {  	_ =	swait.ge [sflag:s25], $0x4000  }
0x36: {  	[sflag:s25] =	ssyncset.done $0x0  }
0x37: {  	[sflag:s25] =	ssyncadd.s32 $0xFFFFC000  }
0x38: {  	[spmem:s12] =	stream.linear.scatter [tilespmem:s24], [sflag:$0x3], $0x1C00, $0x38;
	[tilespmem:$0x1AE00] =	vst v63  }
0x39: {  	_ =	swait.ge [sflag:s25], $0x1C00  }
0x3a: {  	[sflag:s25] =	ssyncset.done $0x0  }
0x3b: {  	s8 =	simm.s32 @!p0 $0x8280;
	[sflag:s25] =	ssyncadd.s32 $0xFFFFE400  }
0x3c: {  	[spmem:s13] =	stream.linear.scatter @!p0 [tilespmem:s8], [sflag:$0x3], $0x800, $0x38;
	[tilespmem:$0x1AE00] =	vst v63  }
0x3d: {  	s8 =	simm.s32 @!p0 $0x3  }
0x3e: {  	_ =	swait.ge @!p0 [sflag:s8], $0x800  }
0x3f: {  	[sflag:s8] =	ssyncset.done @!p0 $0x0  }
0x40: {  	[sflag:s8] =	ssyncadd.s32 @!p0 $0xFFFFF800  }
0x41: {  	[bflag:$0x0] =	sbarrier.arrive $0xFFFF  }
0x42: {  	s15 =	simm.s32 $0xC280;
	s8 =	simm.s32 $0x0;
	s18 =	rddreg [dreg:$0x4]  }
0x43: {  	[tilespmem:s15], [sflag:$0x3] =	stream.linear.gather [hbm4b:s18+s8], $0x80, $0x38;
	[tilespmem:$0x1AE00] =	vst v63  }
0x44: {  	_ =	swait.ge [sflag:s25], $0x80  }
0x45: {  	[sflag:s25] =	ssyncset.done $0x0  }
0x46: {  	[sflag:s25] =	ssyncadd.s32 $0xFFFFFF80  }
0x47: {  	s19 =	rddreg [dreg:$0x5];
	v9 =	vld [tilespmem:s11+$0xC280]  }
0x48: {  	s20 =	rddreg [dreg:$0x6];
	v10 =	vld [tilespmem:s19+$0xC280]  }
0x49: {  	s21 =	rddreg [dreg:$0x7];
	v11 =	vld [tilespmem:s20+$0xC280]  }
0x4a: {  	s14 =	simm.s32 $0x0;
	v12 =	vld [tilespmem:s21+$0xC280]  }
.LBB2_6:
0x4b: {  	s15 =	sadd.s32 s17, s14  }
0x4c: {  	s15 =	sshll.u32 s15, $0x4  }
0x4d: {  	s16 =	sadd.s32 s7, s15  }
0x4e: {  	[tilespmem:s28], [sflag:$0x3] =	stream.linear.gather [hbm4b:s16+s8], $0x80, $0x38;
	[tilespmem:$0x1AE00] =	vst v63  }
0x4f: {  	_ =	swait.ge [sflag:s25], $0x80  }
0x50: {  	[sflag:s25] =	ssyncset.done $0x0  }
0x51: {  	[sflag:s25] =	ssyncadd.s32 $0xFFFFFF80  }
0x52: {  	[tilespmem:s29], [sflag:$0x3] =	stream.linear.gather [hbm4b:s16+s8], $0x80, $0x38;
	[tilespmem:$0x1AE00] =	vst v63  }
0x53: {  	_ =	swait.ge [sflag:s25], $0x80  }
0x54: {  	[sflag:s25] =	ssyncset.done $0x0  }
0x55: {  	s15 =	sadd.s32 s6, s15;
	[sflag:s25] =	ssyncadd.s32 $0xFFFFFF80  }
0x56: {  	[tilespmem:s8], [sflag:$0x3] =	stream.linear.gather [hbm4b:s15+s8], $0x80, $0x38;
	[tilespmem:$0x1AE00] =	vst v63  }
0x57: {  	_ =	swait.ge [sflag:s25], $0x80  }
0x58: {  	[sflag:s25] =	ssyncset.done $0x0  }
0x59: {  	[sflag:s25] =	ssyncadd.s32 $0xFFFFFF80  }
0x5a: {  	v13 =	vld [tilespmem:$0x80]  }
0x5b: {  	v14 =	vld [tilespmem:$0x90]  }
0x5c: {  	v15 =	vld [tilespmem:$0xA0]  }
0x5d: {  	v16 =	vld [tilespmem:$0xB0]  }
0x5e: {  	v17 =	vld [tilespmem:$0xC0]  }
0x5f: {  	v18 =	vld [tilespmem:$0xD0];
	v13 =	vshrl.u32 v13, $0x1  }
0x60: {  	[tilespmem:$0x200] =	vst v13;
	v13 =	vshrl.u32 v14, $0x1;
	v14 =	vld [tilespmem:$0xE0]  }
0x61: {  	[tilespmem:$0x210] =	vst v13;
	v13 =	vshrl.u32 v15, $0x1;
	v15 =	vld [tilespmem:$0xF0]  }
0x62: {  	[tilespmem:$0x220] =	vst v13;
	v13 =	vshrl.u32 v16, $0x1  }
0x63: {  	[tilespmem:$0x230] =	vst v13;
	v13 =	vshrl.u32 v17, $0x1  }
0x64: {  	[tilespmem:$0x240] =	vst v13;
	v13 =	vshrl.u32 v18, $0x1  }
0x65: {  	[tilespmem:$0x250] =	vst v13;
	v13 =	vshrl.u32 v14, $0x1  }
0x66: {  	[tilespmem:$0x260] =	vst v13;
	v13 =	vshrl.u32 v15, $0x1  }
0x67: {  	[tilespmem:$0x270] =	vst v13  }
0x68: {  	[tilespmem:s30], [sflag:$0x1] =	stream.indirect.gather [hbm4b:s3+s28], $0x80, s8, s28, $0xb8;
	[tilespmem:$0x1AE00] =	vst v63  }
0x69: {  	_ = 	snop  }
0x6a: {  	[tilespmem:s31], [sflag:$0x2] =	stream.indirect.gather [hbm4b:s4+s28], $0x80, s28, s28, $0xb8;
	[tilespmem:$0x1AE00] =	vst v63  }
0x6b: {  	_ =	swait.ge [sflag:s0], $0x4000  }
0x6c: {  	[sflag:s0] =	ssyncset.done $0x0  }
0x6d: {  	[sflag:s0] =	ssyncadd.s32 $0xFFFFC000  }
0x6e: {  	_ =	swait.ge [sflag:s2], $0x4000  }
0x6f: {  	[sflag:s2] =	ssyncset.done $0x0  }
0x70: {  	s16 =	simm.s32 $0x0;
	s15 =	simm.s32 $0x102;
	[sflag:s2] =	ssyncadd.s32 $0xFFFFC000  }
.LBB2_7:
0x71: {  	s18 =	sshra.s32 s16, $0x2  }
0x72: {  	v13 =	vld.idx.msk [tilespmem:v0+s18+$0xFFFFFF00 ss:$0x1], $0xffff  }
0x73: {  	v14 =	vld.idx.msk [tilespmem:v1+s18+$0xFFFFFF00 ss:$0x1], $0xffff  }
0x74: {  	v15 =	vld.idx.msk [tilespmem:v0+s18+$0xFFFFFF10 ss:$0x1], $0xffff  }
0x75: {  	v16 =	vld.idx.msk [tilespmem:v1+s18+$0xFFFFFF10 ss:$0x1], $0xffff  }
0x76: {  	v17 =	vld.idx.msk [tilespmem:v0+s18+$0xFFFFFF20 ss:$0x1], $0xffff  }
0x77: {  	v18 =	vld.idx.msk [tilespmem:v1+s18+$0xFFFFFF20 ss:$0x1], $0xffff  }
0x78: {  	v19 =	vld.idx.msk [tilespmem:v0+s18+$0xFFFFFF30 ss:$0x1], $0xffff  }
0x79: {  	v20 =	vld.idx.msk [tilespmem:v1+s18+$0xFFFFFF30 ss:$0x1], $0xffff;
	_ =	sdelay $0x2  }
0x7a: {  	v14 =	vadd.f32 v14, v13  }
0x7b: {  	v16 =	vadd.f32 v16, v15;
	v18 =	vadd.f32 v18, v17  }
0x7c: {  	v20 =	vadd.f32 v20, v19;
	v21 =	vmul.f32 $2.000000030e-01, v14  }
0x7d: {  	v22 =	vmul.f32 $2.000000030e-01, v16;
	v45 =	vmul.f32 $2.000000030e-01, v18  }
0x7e: {  	v23 =	vmul.f32 $2.000000030e-01, v20  }
0x7f: {  	v14 =	vmax.f32 v14, v21;
	v16 =	vmax.f32 v16, v22;
	v18 =	vmax.f32 v18, v45  }
0x80: {  	v20 =	vmax.f32 v20, v23;
	v14 =	vmul.f32 v14, v9;
	v16 =	vmul.f32 v16, v10  }
0x81: {  	v18 =	vmul.f32 v18, v11;
	v20 =	vmul.f32 v20, v12;
	_ =	sdelay $0x1  }
0x82: {  	v14 =	vadd.f32 v16, v14;
	v46 =	vadd.f32 v20, v18;
	_ =	sdelay $0x1  }
0x83: {  	v47 =	vperm.xlane v14, v3;
	v20 =	vperm.xlane v46, v3;
	_ =	sdelay $0x1  }
0x84: {  	v14 =	vadd.f32 v47, v14;
	v16 =	vadd.f32 v46, v20;
	_ =	sdelay $0x1  }
0x85: {  	v14 =	vsel vm0, v14, v16  }
0x86: {  	v16 =	vperm.xlane v14, v4;
	_ =	sdelay $0x1  }
0x87: {  	v14 =	vadd.f32 v14, v16  }
0x88: {  	v48 =	vld [tilespmem:s15+$0xFFFFFFFE]  }
0x89: {  	v49 =	vperm.xlane v14, v5;
	_ =	sdelay $0x1  }
0x8a: {  	v14 =	vadd.f32 v14, v49;
	_ =	sdelay $0x1  }
0x8b: {  	(v2sf) =	vpush v48, $0x0;
	v50 =	vperm.xlane v14, v6;
	_ =	sdelay $0x1  }
0x8c: {  	v14 =	vadd.f32 v14, v50;
	_ =	sdelay $0x1  }
0x8d: {  	v14 =	vmul.f32 $1.442695020e+00, v14;
	_ =	sdelay $0x1  }
0x8e: {  	(erf) = vpow2.f32 v14;
	_ =	sdelay $0x8  }
0x8f: {  	s19 =	spop (v2sf);
	v14 =	vpop (erf)  }
0x90: {  	s20 =	sand.u32 $0x1, s19;
	v51 =	vperm.xlane v14, v7  }
0x91: {  	s20 =	sshll.u32 s20, $0x8  }
0x92: {  	s21 =	sshrl.u32 s20, $0x2;
	v52 =	vperm.xlane v14, v8;
	v13 =	vmul.f32 v51, v13  }
0x93: {  	s21 =	sadd.s32 s18, s21;
	v15 =	vmul.f32 v51, v15  }
0x94: {  	[tilespmem:s21+$0x8280] =	vst v13;
	v13 =	vmul.f32 v52, v17  }
0x95: {  	s20 =	ssub.s32 $0x0, s20;
	[tilespmem:s21+$0x8290] =	vst v15;
	v15 =	vmul.f32 v52, v19  }
0x96: {  	s20 =	sshra.s32 s20, $0x2;
	[tilespmem:s21+$0x82A0] =	vst v13  }
0x97: {  	s20 =	sadd.s32 s18, s20;
	[tilespmem:s21+$0x82B0] =	vst v15  }
0x98: {  	[tilespmem:s20+$0x82C0] =	vst v2  }
0x99: {  	[tilespmem:s20+$0x82D0] =	vst v2  }
0x9a: {  	[tilespmem:s20+$0x82E0] =	vst v2  }
0x9b: {  	[tilespmem:s20+$0x82F0] =	vst v2  }
0x9c: {  	v13 =	vld [tilespmem:s19+$0xC300]  }
0x9d: {  	v15 =	vld [tilespmem:s19+$0xEA20];
	_ =	sdelay $0x2  }
0x9e: {  	v14 =	vnsel vm1, $0x0, v14  }
0x9f: {  	v53 =	vnsel vm1, $0x0, v52;
	v13 =	vadd.f32 v13, v14  }
0xa0: {  	v14 =	vadd.f32 v15, v53  }
0xa1: {  	[tilespmem:s19+$0xC300] =	vst v13  }
0xa2: {  	[tilespmem:s19+$0xEA20] =	vst v14  }
0xa3: {  	v13 =	vld.idx.msk [tilespmem:v0+s18+$0xFFFFFF80 ss:$0x1], $0xffff  }
0xa4: {  	v14 =	vld.idx.msk [tilespmem:v1+s18+$0xFFFFFF80 ss:$0x1], $0xffff  }
0xa5: {  	v15 =	vld.idx.msk [tilespmem:v0+s18+$0xFFFFFF90 ss:$0x1], $0xffff  }
0xa6: {  	v54 =	vld.idx.msk [tilespmem:v1+s18+$0xFFFFFF90 ss:$0x1], $0xffff  }
0xa7: {  	v55 =	vld.idx.msk [tilespmem:v0+s18+$0xFFFFFFA0 ss:$0x1], $0xffff  }
0xa8: {  	v56 =	vld.idx.msk [tilespmem:v1+s18+$0xFFFFFFA0 ss:$0x1], $0xffff  }
0xa9: {  	v57 =	vld.idx.msk [tilespmem:v0+s18+$0xFFFFFFB0 ss:$0x1], $0xffff  }
0xaa: {  	v58 =	vld.idx.msk [tilespmem:v1+s18+$0xFFFFFFB0 ss:$0x1], $0xffff;
	_ =	sdelay $0x2  }
0xab: {  	v14 =	vadd.f32 v14, v13  }
0xac: {  	v16 =	vadd.f32 v54, v15;
	v18 =	vadd.f32 v56, v55  }
0xad: {  	v20 =	vadd.f32 v58, v57;
	v59 =	vmul.f32 $2.000000030e-01, v14  }
0xae: {  	v60 =	vmul.f32 $2.000000030e-01, v16;
	v61 =	vmul.f32 $2.000000030e-01, v18  }
0xaf: {  	v62 =	vmul.f32 $2.000000030e-01, v20  }
0xb0: {  	v14 =	vmax.f32 v14, v59;
	v16 =	vmax.f32 v16, v60;
	v18 =	vmax.f32 v18, v61  }
0xb1: {  	v20 =	vmax.f32 v20, v62;
	v14 =	vmul.f32 v14, v9;
	v16 =	vmul.f32 v16, v10  }
0xb2: {  	v18 =	vmul.f32 v18, v11;
	v20 =	vmul.f32 v20, v12;
	_ =	sdelay $0x1  }
0xb3: {  	v14 =	vadd.f32 v16, v14;
	v63 =	vadd.f32 v20, v18;
	_ =	sdelay $0x1  }
0xb4: {  	v24 =	vperm.xlane v14, v3;
	v20 =	vperm.xlane v63, v3;
	_ =	sdelay $0x1  }
0xb5: {  	v14 =	vadd.f32 v24, v14;
	v16 =	vadd.f32 v63, v20;
	_ =	sdelay $0x1  }
0xb6: {  	v14 =	vsel vm0, v14, v16  }
0xb7: {  	v16 =	vperm.xlane v14, v4;
	_ =	sdelay $0x1  }
0xb8: {  	v14 =	vadd.f32 v14, v16  }
0xb9: {  	v25 =	vld [tilespmem:s15+$0xFFFFFFFF]  }
0xba: {  	v26 =	vperm.xlane v14, v5;
	_ =	sdelay $0x1  }
0xbb: {  	v14 =	vadd.f32 v14, v26;
	_ =	sdelay $0x1  }
0xbc: {  	(v2sf) =	vpush v25, $0x0;
	v27 =	vperm.xlane v14, v6;
	_ =	sdelay $0x1  }
0xbd: {  	v14 =	vadd.f32 v14, v27;
	_ =	sdelay $0x1  }
0xbe: {  	v14 =	vmul.f32 $1.442695020e+00, v14;
	_ =	sdelay $0x1  }
0xbf: {  	(erf) = vpow2.f32 v14;
	_ =	sdelay $0x8  }
0xc0: {  	s19 =	spop (v2sf);
	v14 =	vpop (erf)  }
0xc1: {  	s21 =	sand.u32 $0x1, s19;
	v28 =	vperm.xlane v14, v7  }
0xc2: {  	s20 =	sshll.u32 s21, $0x8  }
0xc3: {  	s21 =	sshrl.u32 s20, $0x2;
	v29 =	vperm.xlane v14, v8;
	v13 =	vmul.f32 v28, v13  }
0xc4: {  	s21 =	sadd.s32 s18, s21;
	v15 =	vmul.f32 v28, v15  }
0xc5: {  	[tilespmem:s21+$0x8300] =	vst v13;
	v13 =	vmul.f32 v29, v55  }
0xc6: {  	s20 =	ssub.s32 $0x0, s20;
	[tilespmem:s21+$0x8310] =	vst v15;
	v15 =	vmul.f32 v29, v57  }
0xc7: {  	s20 =	sshra.s32 s20, $0x2;
	[tilespmem:s21+$0x8320] =	vst v13  }
0xc8: {  	s20 =	sadd.s32 s18, s20;
	[tilespmem:s21+$0x8330] =	vst v15  }
0xc9: {  	[tilespmem:s20+$0x8340] =	vst v2  }
0xca: {  	[tilespmem:s20+$0x8350] =	vst v2  }
0xcb: {  	[tilespmem:s20+$0x8360] =	vst v2  }
0xcc: {  	[tilespmem:s20+$0x8370] =	vst v2  }
0xcd: {  	v13 =	vld [tilespmem:s19+$0xC300]  }
0xce: {  	v15 =	vld [tilespmem:s19+$0xEA20];
	_ =	sdelay $0x2  }
0xcf: {  	v14 =	vnsel vm1, $0x0, v14  }
0xd0: {  	v30 =	vnsel vm1, $0x0, v29;
	v13 =	vadd.f32 v13, v14  }
0xd1: {  	v14 =	vadd.f32 v15, v30  }
0xd2: {  	[tilespmem:s19+$0xC300] =	vst v13  }
0xd3: {  	[tilespmem:s19+$0xEA20] =	vst v14  }
0xd4: {  	v13 =	vld.idx.msk [tilespmem:v0+s18+$0x0 ss:$0x1], $0xffff  }
0xd5: {  	v14 =	vld.idx.msk [tilespmem:v1+s18+$0x0 ss:$0x1], $0xffff  }
0xd6: {  	v15 =	vld.idx.msk [tilespmem:v0+s18+$0x10 ss:$0x1], $0xffff  }
0xd7: {  	v31 =	vld.idx.msk [tilespmem:v1+s18+$0x10 ss:$0x1], $0xffff  }
0xd8: {  	v32 =	vld.idx.msk [tilespmem:v0+s18+$0x20 ss:$0x1], $0xffff  }
0xd9: {  	v33 =	vld.idx.msk [tilespmem:v1+s18+$0x20 ss:$0x1], $0xffff  }
0xda: {  	v34 =	vld.idx.msk [tilespmem:v0+s18+$0x30 ss:$0x1], $0xffff  }
0xdb: {  	v35 =	vld.idx.msk [tilespmem:v1+s18+$0x30 ss:$0x1], $0xffff;
	_ =	sdelay $0x2  }
0xdc: {  	v14 =	vadd.f32 v14, v13  }
0xdd: {  	v16 =	vadd.f32 v31, v15;
	v18 =	vadd.f32 v33, v32  }
0xde: {  	v20 =	vadd.f32 v35, v34;
	v36 =	vmul.f32 $2.000000030e-01, v14  }
0xdf: {  	v37 =	vmul.f32 $2.000000030e-01, v16;
	v38 =	vmul.f32 $2.000000030e-01, v18  }
0xe0: {  	v39 =	vmul.f32 $2.000000030e-01, v20  }
0xe1: {  	v14 =	vmax.f32 v14, v36;
	v16 =	vmax.f32 v16, v37;
	v18 =	vmax.f32 v18, v38  }
0xe2: {  	v20 =	vmax.f32 v20, v39;
	v14 =	vmul.f32 v14, v9;
	v16 =	vmul.f32 v16, v10  }
0xe3: {  	v18 =	vmul.f32 v18, v11;
	v20 =	vmul.f32 v20, v12;
	_ =	sdelay $0x1  }
0xe4: {  	v14 =	vadd.f32 v16, v14;
	v40 =	vadd.f32 v20, v18;
	_ =	sdelay $0x1  }
0xe5: {  	v41 =	vperm.xlane v14, v3;
	v20 =	vperm.xlane v40, v3;
	_ =	sdelay $0x1  }
0xe6: {  	v14 =	vadd.f32 v41, v14;
	v16 =	vadd.f32 v40, v20;
	_ =	sdelay $0x1  }
0xe7: {  	v14 =	vsel vm0, v14, v16  }
0xe8: {  	v16 =	vperm.xlane v14, v4;
	_ =	sdelay $0x1  }
0xe9: {  	v14 =	vadd.f32 v14, v16  }
0xea: {  	v42 =	vld [tilespmem:s15+$0x0]  }
0xeb: {  	v43 =	vperm.xlane v14, v5;
	_ =	sdelay $0x1  }
0xec: {  	v14 =	vadd.f32 v14, v43;
	_ =	sdelay $0x1  }
0xed: {  	(v2sf) =	vpush v42, $0x0;
	v44 =	vperm.xlane v14, v6;
	_ =	sdelay $0x1  }
0xee: {  	v14 =	vadd.f32 v14, v44;
	_ =	sdelay $0x1  }
0xef: {  	v14 =	vmul.f32 $1.442695020e+00, v14;
	_ =	sdelay $0x1  }
0xf0: {  	(erf) = vpow2.f32 v14;
	_ =	sdelay $0x8  }
0xf1: {  	s19 =	spop (v2sf);
	v14 =	vpop (erf)  }
0xf2: {  	s21 =	sand.u32 $0x1, s19;
	v45 =	vperm.xlane v14, v7  }
0xf3: {  	s20 =	sshll.u32 s21, $0x8  }
0xf4: {  	s21 =	sshrl.u32 s20, $0x2;
	v46 =	vperm.xlane v14, v8;
	v13 =	vmul.f32 v45, v13  }
0xf5: {  	s21 =	sadd.s32 s18, s21;
	v15 =	vmul.f32 v45, v15  }
0xf6: {  	[tilespmem:s21+$0x8380] =	vst v13;
	v13 =	vmul.f32 v46, v32  }
0xf7: {  	s20 =	ssub.s32 $0x0, s20;
	[tilespmem:s21+$0x8390] =	vst v15;
	v15 =	vmul.f32 v46, v34  }
0xf8: {  	s20 =	sshra.s32 s20, $0x2;
	[tilespmem:s21+$0x83A0] =	vst v13  }
0xf9: {  	s20 =	sadd.s32 s18, s20;
	[tilespmem:s21+$0x83B0] =	vst v15  }
0xfa: {  	[tilespmem:s20+$0x83C0] =	vst v2  }
0xfb: {  	[tilespmem:s20+$0x83D0] =	vst v2  }
0xfc: {  	[tilespmem:s20+$0x83E0] =	vst v2  }
0xfd: {  	[tilespmem:s20+$0x83F0] =	vst v2  }
0xfe: {  	v13 =	vld [tilespmem:s19+$0xC300]  }
0xff: {  	v15 =	vld [tilespmem:s19+$0xEA20];
	_ =	sdelay $0x2  }
0x100: {  	v14 =	vnsel vm1, $0x0, v14  }
0x101: {  	v47 =	vnsel vm1, $0x0, v46;
	v13 =	vadd.f32 v13, v14  }
0x102: {  	v14 =	vadd.f32 v15, v47  }
0x103: {  	[tilespmem:s19+$0xC300] =	vst v13  }
0x104: {  	[tilespmem:s19+$0xEA20] =	vst v14  }
0x105: {  	v13 =	vld.idx.msk [tilespmem:v0+s18+$0x80 ss:$0x1], $0xffff  }
0x106: {  	v14 =	vld.idx.msk [tilespmem:v1+s18+$0x80 ss:$0x1], $0xffff  }
0x107: {  	v15 =	vld.idx.msk [tilespmem:v0+s18+$0x90 ss:$0x1], $0xffff  }
0x108: {  	v48 =	vld.idx.msk [tilespmem:v1+s18+$0x90 ss:$0x1], $0xffff  }
0x109: {  	v49 =	vld.idx.msk [tilespmem:v0+s18+$0xA0 ss:$0x1], $0xffff  }
0x10a: {  	v50 =	vld.idx.msk [tilespmem:v1+s18+$0xA0 ss:$0x1], $0xffff  }
0x10b: {  	v51 =	vld.idx.msk [tilespmem:v0+s18+$0xB0 ss:$0x1], $0xffff  }
0x10c: {  	v52 =	vld.idx.msk [tilespmem:v1+s18+$0xB0 ss:$0x1], $0xffff;
	_ =	sdelay $0x2  }
0x10d: {  	v14 =	vadd.f32 v14, v13  }
0x10e: {  	v16 =	vadd.f32 v48, v15;
	v18 =	vadd.f32 v50, v49  }
0x10f: {  	v20 =	vadd.f32 v52, v51;
	v53 =	vmul.f32 $2.000000030e-01, v14  }
0x110: {  	v54 =	vmul.f32 $2.000000030e-01, v16;
	v55 =	vmul.f32 $2.000000030e-01, v18  }
0x111: {  	v24 =	vmul.f32 $2.000000030e-01, v20  }
0x112: {  	v14 =	vmax.f32 v14, v53;
	v16 =	vmax.f32 v16, v54;
	v18 =	vmax.f32 v18, v55  }
0x113: {  	v20 =	vmax.f32 v20, v24;
	v14 =	vmul.f32 v14, v9;
	v16 =	vmul.f32 v16, v10  }
0x114: {  	v18 =	vmul.f32 v18, v11;
	v20 =	vmul.f32 v20, v12;
	_ =	sdelay $0x1  }
0x115: {  	v14 =	vadd.f32 v16, v14;
	v56 =	vadd.f32 v20, v18;
	_ =	sdelay $0x1  }
0x116: {  	v57 =	vperm.xlane v14, v3;
	v20 =	vperm.xlane v56, v3;
	_ =	sdelay $0x1  }
0x117: {  	v14 =	vadd.f32 v57, v14;
	v16 =	vadd.f32 v56, v20;
	_ =	sdelay $0x1  }
0x118: {  	v14 =	vsel vm0, v14, v16  }
0x119: {  	v16 =	vperm.xlane v14, v4;
	_ =	sdelay $0x1  }
0x11a: {  	v14 =	vadd.f32 v14, v16  }
0x11b: {  	v58 =	vld [tilespmem:s15+$0x1]  }
0x11c: {  	v59 =	vperm.xlane v14, v5;
	_ =	sdelay $0x1  }
0x11d: {  	v14 =	vadd.f32 v14, v59;
	_ =	sdelay $0x1  }
0x11e: {  	(v2sf) =	vpush v58, $0x0;
	v60 =	vperm.xlane v14, v6;
	_ =	sdelay $0x1  }
0x11f: {  	v14 =	vadd.f32 v14, v60;
	_ =	sdelay $0x1  }
0x120: {  	v14 =	vmul.f32 $1.442695020e+00, v14;
	_ =	sdelay $0x1  }
0x121: {  	(erf) = vpow2.f32 v14;
	_ =	sdelay $0x8  }
0x122: {  	s19 =	spop (v2sf);
	v14 =	vpop (erf)  }
0x123: {  	s21 =	sand.u32 $0x1, s19;
	v61 =	vperm.xlane v14, v7  }
0x124: {  	s20 =	sshll.u32 s21, $0x8  }
0x125: {  	s21 =	sshrl.u32 s20, $0x2;
	v62 =	vperm.xlane v14, v8;
	v13 =	vmul.f32 v61, v13  }
0x126: {  	s21 =	sadd.s32 s18, s21;
	v15 =	vmul.f32 v61, v15  }
0x127: {  	[tilespmem:s21+$0x8400] =	vst v13;
	v13 =	vmul.f32 v62, v49  }
0x128: {  	s20 =	ssub.s32 $0x0, s20;
	[tilespmem:s21+$0x8410] =	vst v15;
	v15 =	vmul.f32 v62, v51  }
0x129: {  	s20 =	sshra.s32 s20, $0x2;
	[tilespmem:s21+$0x8420] =	vst v13  }
0x12a: {  	s18 =	sadd.s32 s18, s20;
	[tilespmem:s21+$0x8430] =	vst v15  }
0x12b: {  	[tilespmem:s18+$0x8440] =	vst v2  }
0x12c: {  	[tilespmem:s18+$0x8450] =	vst v2  }
0x12d: {  	[tilespmem:s18+$0x8460] =	vst v2  }
0x12e: {  	[tilespmem:s18+$0x8470] =	vst v2  }
0x12f: {  	v13 =	vld [tilespmem:s19+$0xC300]  }
0x130: {  	v15 =	vld [tilespmem:s19+$0xEA20];
	_ =	sdelay $0x1  }
0x131: {  	p1 =	sne.s32 s16, $0xF800  }
.Ltmp2:
0x132: {  	v14 =	vnsel vm1, $0x0, v14;
	(pc) =	sbr.rel @p1 .LBB2_7-.Ltmp2, $4  }
0x133: {  	v63 =	vnsel vm1, $0x0, v62;
	v13 =	vadd.f32 v13, v14  }
0x134: {  	v14 =	vadd.f32 v15, v63  }
0x135: {  	[tilespmem:s19+$0xC300] =	vst v13  }
0x136: {  	s16 =	sadd.s32 $0x800, s16;
	s15 =	sadd.s32 $0x4, s15;
	[tilespmem:s19+$0xEA20] =	vst v14  }
0x137: {  	s14 =	sadd.s32 $0x1, s14  }
0x138: {  	p1 =	sne.s32 s14, $0xA2  }
.Ltmp3:
0x139: {  	_ = 	snop;
	(pc) =	sbr.rel @p1 .LBB2_6-.Ltmp3, $4  }
0x13a: {  	[spmem:s1] =	stream.indirect.scatter.add.f32 [tilespmem:s24], [sflag:$0x3], $0x80, s26, s28, $0xb8;
	[tilespmem:$0x1AE00] =	vst v63  }
0x13b: {  	_ =	swait.ge [sflag:s25], $0x4000  }
0x13c: {  	[sflag:s25] =	ssyncset.done $0x0  }
0x13d: {  	[sflag:s25] =	ssyncadd.s32 $0xFFFFC000  }
0x13e: {  	s8 =	stileid.u32  }
0x13f: {  	[bflag:$0x0] =	sbarrier.arrive $0xFFFF;
	s8 =	sshll.u32 s8, $0x6  }
0x140: {  	s14 =	sshrl.u32 s9, $0x3;
	s15 =	rddreg [dreg:$0x8];
	s8 =	sor.u32 $0x1C03, s8  }
0x141: {  	[hbm:s15], [sflag:s8] =	dma.local [spmem:s14], $0x800  }
0x142: {  	_ =	swait.ge [sflag:s25], $0x800  }
0x143: {  	[sflag:s25] =	ssyncset.done $0x0  }
0x144: {  	s20 =	sshrl.u32 s10, $0x3;
	s21 =	rddreg [dreg:$0x9];
	[sflag:s25] =	ssyncadd.s32 $0xFFFFF800  }
0x145: {  	[hbm:s21], [sflag:s8] =	dma.local [spmem:s20], $0x800  }
0x146: {  	_ =	swait.ge [sflag:s25], $0x800  }
0x147: {  	[sflag:s25] =	ssyncset.done $0x0  }
0x148: {  	s16 =	sshrl.u32 s12, $0x3;
	s18 =	rddreg [dreg:$0xa];
	[sflag:s25] =	ssyncadd.s32 $0xFFFFF800  }
0x149: {  	[hbm:s18], [sflag:s8] =	dma.local [spmem:s16], $0x380  }
0x14a: {  	_ =	swait.ge [sflag:s25], $0x380  }
0x14b: {  	[sflag:s25] =	ssyncset.done $0x0  }
0x14c: {  	s14 =	sshrl.u32 @!p0 s13, $0x3;
	[sflag:s25] =	ssyncadd.s32 $0xFFFFFC80  }
0x14d: {  	[hbm:s22], [sflag:s8] =	dma.local @!p0 [spmem:s14], $0x100  }
0x14e: {  	s8 =	simm.s32 @!p0 $0x3  }
0x14f: {  	s19 =	simm.s32 $0x0;
	s5 =	sadd.s32 $0x1, s5;
	_ =	swait.ge @!p0 [sflag:s8], $0x100  }
0x150: {  	p1 =	sne.s32 s5, s23;
	s21 =	simm.s32 $0xC300;
	[sflag:s8] =	ssyncset.done @!p0 $0x0  }
.Ltmp4:
0x151: {  	s20 =	rddreg [dreg:$0xb];
	[sflag:s8] =	ssyncadd.s32 @!p0 $0xFFFFFF00;
	(pc) =	sbr.rel @p1 .LBB2_1-.Ltmp4, $4  }
0x152: {  	[hbm4b:s20+s19] =	stream.linear.scatter [tilespmem:s21], [sflag:$0x3], $0x4E40, $0x38;
	[tilespmem:$0x1AE00] =	vst v63  }
0x153: {  	_ =	swait.ge [sflag:s25], $0x4E40  }
0x154: {  	[sflag:s25] =	ssyncset.done $0x0  }
0x155: {  	[sflag:s25] =	ssyncadd.s32 $0xFFFFB1C0  }
0x156: {  	_ =	sfence.sel $0x180000  }
0x157: {  	[bflag:$0x0] =	sbarrier.arrive $0xFFFF  }
0x158: {  	_ =	strace $0x90000047  }
0x159: {  	[bflag:$0x2] =	sbarrier.arrive $0xFFFF  }
0x15a: {  	s0 =	rddreg [dreg:$0x3]  }
0x15b: {  	s0 =	sadd.s32 @!p0 $0x100000, s0  }
0x15c: {  	[sflag:s0] =	ssyncadd.tile.s32 @!p0 $0x1;
	_ =	shalt  }
.Lfunc_end2:
_tile_overlayer_lowered:
.L_overlay_start_2:
0x15d: {  	(tag) =	ssettag $0x2  }
0x15e: {  	s0 =	rddreg [dreg:$0x0];
	s2 =	stileid.u32  }
0x15f: {  	s1 =	rddreg [dreg:$0x1];
	p0 =	sne.s32 s2, $0x0  }
0x160: {  	s3 =	rddreg [dreg:$0x2];
	[bflag:$0x3] =	sbarrier.arrive $0xFFFF;
	s2 =	simm.s32 @!p0 $0x1C03  }
0x161: {  	[timem:s3], [sflag:s2] =	dma.local @!p0 [hbm:s0], s1  }
0x162: {  	s0 =	simm.s32 @!p0 $0x3  }
0x163: {  	_ =	swait.ge @!p0 [sflag:s0], s1  }
0x164: {  	s1 =	ssub.s32 @!p0 $0x0, s1;
	[sflag:s0] =	ssyncset.done @!p0 $0x0  }
0x165: {  	[sflag:s0] =	ssyncadd.s32 @!p0 s1  }
0x166: {  	[bflag:$0x3] =	sbarrier.arrive $0xFFFF  }
0x167: {  	_ =	shalt  }

</sc_bundles>
